<compile_context>
chip_gen: v7x
topology: tpu7x:2x2x1
jax: 0.10.2.dev20260603
libtpu: 0.0.44.dev20260713+nightly
codegen_flags: <defaults>
</compile_context>

<pallas_src>
import functools

import jax
import jax.numpy as jnp
from jax import lax
from jax.experimental import pallas as pl
from jax.experimental.pallas import tpu as pltpu
from jax.experimental.pallas import tpu_sc as plsc

VOCAB = 1000000
EMBED_DIM = 32
BATCH = 16384
HIST = 50
NUM_CORES = 2
NUM_SUBCORES = 16
NUM_WORKERS = NUM_CORES * NUM_SUBCORES

N_IDS = BATCH * HIST
BGROUPS = BATCH // 128
N_UNITS = HIST * BGROUPS
UNITS_PER_WORKER = N_UNITS // NUM_WORKERS


def _build_lookup():
    mesh = plsc.VectorSubcoreMesh(core_axis_name="c", subcore_axis_name="s")

    @functools.partial(
        pl.kernel,
        mesh=mesh,
        out_type=jax.ShapeDtypeStruct((N_IDS * EMBED_DIM,), jnp.float32),
        scratch_types=[
            pltpu.VMEM((2, 128), jnp.int32),
            pltpu.VMEM((2, 128, EMBED_DIM), jnp.float32),
            pltpu.VMEM((2, EMBED_DIM * 128), jnp.float32),
            pltpu.SemaphoreType.DMA,
            pltpu.SemaphoreType.DMA,
            pltpu.SemaphoreType.DMA,
            pltpu.SemaphoreType.DMA,
        ],
        compiler_params=pltpu.CompilerParams(
            use_tc_tiling_on_sc=False, needs_layout_passes=False
        ),
    )
    def lookup(ids_hbm, tab_hbm, out_hbm, idx_v, rows_v, tbuf, g0, g1, w0, w1):
        lane = lax.iota(jnp.int32, 16)
        gsem = (g0, g1)
        wsem = (w0, w1)
        wid = lax.axis_index("s") * NUM_CORES + lax.axis_index("c")
        base_unit = wid * UNITS_PER_WORKER

        def outer(o, carry):
            gathers = [None, None]
            units = [None, None]
            for b in range(2):
                u = base_unit + o * 2 + b
                units[b] = u

                @pl.when(o > 0)
                def _(b=b):
                    pltpu.make_async_copy(
                        out_hbm.at[pl.ds(0, 4096)], tbuf.at[b], wsem[b]
                    ).wait()

                pltpu.sync_copy(ids_hbm.at[pl.ds(u * 128, 128)], idx_v.at[b])
                gathers[b] = pltpu.async_copy(
                    tab_hbm.at[idx_v.at[b]], rows_v.at[b], gsem[b]
                )
            for b in range(2):
                gathers[b].wait()

                @plsc.parallel_loop(0, EMBED_DIM, unroll=8)
                def body(e, b=b):
                    ecol = jnp.full((16,), e, jnp.int32)
                    for g in range(8):
                        vec = plsc.load_gather(
                            rows_v.at[b], [g * 16 + lane, ecol]
                        )
                        tbuf[b, pl.ds(e * 128 + g * 16, 16)] = vec

                h = units[b] // BGROUPS
                bt = units[b] % BGROUPS
                for te in range(4):
                    pltpu.async_copy(
                        tbuf.at[b].at[pl.ds(te * 1024, 1024)],
                        out_hbm.at[pl.ds(((h * 4 + te) * BGROUPS + bt) * 1024, 1024)],
                        wsem[b],
                    )
            return carry

        lax.fori_loop(0, UNITS_PER_WORKER // 2, outer, 0)
        for b in range(2):
            pltpu.make_async_copy(
                out_hbm.at[pl.ds(0, 4096)], tbuf.at[b], wsem[b]
            ).wait()

    return lookup


def kernel(scrim_ids, table):
    ids_hm = scrim_ids.T.reshape(-1)
    out_flat = _build_lookup()(ids_hm, table)
    out5 = out_flat.reshape(HIST, 4, BGROUPS, 8, 128)
    return out5.transpose(2, 4, 0, 1, 3).reshape(BATCH, HIST, EMBED_DIM)

# --- scband reference (transcript-rebuilt; emitter-appended) ---
"""Pipeline reference for scband-scrimmage-encoder-87153476370451 (READ-ONLY COPY).

The authoritative reference and input builder live on the scoring server;
editing this copy changes nothing except your own understanding.
"""

import jax, jax.numpy as jnp
import numpy as np

VOCAB = 1000000
EMBED_DIM = 32
BATCH = 16384
HIST = 50

def setup_inputs(seed: int = 0) -> dict:
    key = jax.random.key(seed)
    k_idx, k_tab = jax.random.split(key)
    scrim_ids = jax.random.randint(k_idx, (BATCH, HIST), 0, VOCAB, dtype=jnp.int32)
    table = jax.random.normal(k_tab, (VOCAB, EMBED_DIM), dtype=jnp.float32) * 0.05
    return {"scrim_ids": scrim_ids, "table": table}

def reference(scrim_ids, table):
    # Faithful translation of tf.keras.layers.Embedding lookup:
    # embed = Embedding(x['scrim_ids'])
    embed = jnp.take(table, scrim_ids, axis=0)
    return embed

if __name__ == "__main__":
    import jax
    _d = setup_inputs()
    print(jax.jit(kernel)(*tuple(_d.values())))

</pallas_src>

<mosaic_0001>
#map = affine_map<(d0, d1) -> (0)>
#map1 = affine_map<(d0, d1) -> (0, 0)>
module attributes {stable_mosaic.version = 14 : i64} {
  func.func @lookup(%arg0: i32, %arg1: i32, %arg2: memref<819200xi32, #tpu.memory_space<hbm>>, %arg3: memref<1000000x32xf32, #tpu.memory_space<hbm>>, %arg4: memref<26214400xf32, #tpu.memory_space<hbm>>, %arg5: memref<2x128xi32, #tpu.memory_space<vmem>>, %arg6: memref<2x128x32xf32, #tpu.memory_space<vmem>>, %arg7: memref<2x4096xf32, #tpu.memory_space<vmem>>, %arg8: memref<!tpu.dma_semaphore, #tpu.memory_space<semaphore_mem>>, %arg9: memref<!tpu.dma_semaphore, #tpu.memory_space<semaphore_mem>>, %arg10: memref<!tpu.dma_semaphore, #tpu.memory_space<semaphore_mem>>, %arg11: memref<!tpu.dma_semaphore, #tpu.memory_space<semaphore_mem>>) attributes {dimension_semantics = [#tpu.dimension_semantics<core_parallel>, #tpu.dimension_semantics<subcore_parallel>], iteration_bounds = array<i64: 2, 16>, scalar_prefetch = 0 : i64, scratch_operands = 7 : i64, tpu.core_type = #tpu.core_type<sc_vector_subcore>, window_params = [{transform_indices = #map}, {transform_indices = #map1}, {transform_indices = #map}]} {
    %iota3A = tpu.iota {dimensions = array<i32: 0>} : vector<16xi32>
    %mul3A = arith.constant 2 : i32
    %mul3A_0 = arith.muli %arg1, %mul3A : i32
    %add3A = arith.addi %mul3A_0, %arg0 : i32
    %mul3A_1 = arith.constant 200 : i32
    %mul3A_2 = arith.muli %add3A, %mul3A_1 : i32
    %scan3A = arith.constant 0 : i32
    %scan3A_3 = arith.constant 0 : i32
    %scan3A_4 = arith.constant 100 : i32
    %scan3A_5 = arith.addi %scan3A_3, %scan3A_4 : i32
    %scan3A_6 = arith.constant 1 : i32
    scf.for %scan3A_29 = %scan3A_3 to %scan3A_5 step %scan3A_6  : i32 {
      %mul3A_30 = arith.constant 2 : i32
      %mul3A_31 = arith.muli %scan3A_29, %mul3A_30 : i32
      %add3A_32 = arith.addi %mul3A_2, %mul3A_31 : i32
      %add3A_33 = arith.constant 0 : i32
      %add3A_34 = arith.addi %add3A_32, %add3A_33 : i32
      %gt3A = arith.constant 0 : i32
      %gt3A_35 = arith.cmpi sgt, %scan3A_29, %gt3A : i32
      %convert_element_type3A = arith.extui %gt3A_35 : i1 to i32
      %cond3A = arith.constant 0 : i32
      %cond3A_36 = arith.cmpi ne, %convert_element_type3A, %cond3A : i32
      scf.if %cond3A_36 {
        %dma_wait3A_350 = arith.constant 0 : i32
        %dma_wait3A_351 = arith.constant 0 : i32
        %dma_wait3A_352 = tpu.memref_slice %arg7[%dma_wait3A_350, %dma_wait3A_351] : memref<2x4096xf32, #tpu.memory_space<vmem>> -> memref<1x4096xf32, #tpu.memory_space<vmem>>
        %dma_wait3A_353 = tpu.memref_squeeze %dma_wait3A_352 : memref<1x4096xf32, #tpu.memory_space<vmem>> -> memref<4096xf32, #tpu.memory_space<vmem>>
        %dma_wait3A_354 = arith.constant 0 : i32
        %dma_wait3A_355 = tpu.memref_slice %arg4[%dma_wait3A_354] : memref<26214400xf32, #tpu.memory_space<hbm>> -> memref<4096xf32, #tpu.memory_space<hbm>>
        %dma_wait3A_356 = arith.constant 0 : i32
        %dma_wait3A_357 = tpu.memref_slice %arg7[%dma_wait3A_350, %dma_wait3A_356] : memref<2x4096xf32, #tpu.memory_space<vmem>> -> memref<1x4096xf32, #tpu.memory_space<vmem>>
        %dma_wait3A_358 = tpu.memref_squeeze %dma_wait3A_357 : memref<1x4096xf32, #tpu.memory_space<vmem>> -> memref<4096xf32, #tpu.memory_space<vmem>>
        %dma_wait3A_359 = arith.constant 0 : i32
        %dma_wait3A_360 = tpu.memref_slice %arg4[%dma_wait3A_359] : memref<26214400xf32, #tpu.memory_space<hbm>> -> memref<4096xf32, #tpu.memory_space<hbm>>
        tpu.wait_dma2 semaphore(%arg10 : memref<!tpu.dma_semaphore, #tpu.memory_space<semaphore_mem>>) src(%dma_wait3A_360 : memref<4096xf32, #tpu.memory_space<hbm>>) dst(%dma_wait3A_358 : memref<4096xf32, #tpu.memory_space<vmem>>)
      } else {
      }
      %mul3A_37 = arith.constant 128 : i32
      %mul3A_38 = arith.muli %add3A_34, %mul3A_37 : i32
      %run_scoped3A = arith.constant 0 : i32
      "tpu.region"() ({
        %run_scoped3A_350 = tpu.sem_alloc : memref<!tpu.dma_semaphore, #tpu.memory_space<semaphore_mem>>
        %dma_start3A_351 = arith.constant 0 : i32
        %dma_start3A_352 = tpu.memref_slice %arg5[%run_scoped3A, %dma_start3A_351] : memref<2x128xi32, #tpu.memory_space<vmem>> -> memref<1x128xi32, #tpu.memory_space<vmem>>
        %dma_start3A_353 = tpu.memref_squeeze %dma_start3A_352 : memref<1x128xi32, #tpu.memory_space<vmem>> -> memref<128xi32, #tpu.memory_space<vmem>>
        %dma_start3A_354 = tpu.memref_slice %arg2[%mul3A_38] : memref<819200xi32, #tpu.memory_space<hbm>> -> memref<128xi32, #tpu.memory_space<hbm>>
        %dma_start3A_355 = arith.constant 0 : i32
        %dma_start3A_356 = tpu.memref_slice %arg5[%run_scoped3A, %dma_start3A_355] : memref<2x128xi32, #tpu.memory_space<vmem>> -> memref<1x128xi32, #tpu.memory_space<vmem>>
        %dma_start3A_357 = tpu.memref_squeeze %dma_start3A_356 : memref<1x128xi32, #tpu.memory_space<vmem>> -> memref<128xi32, #tpu.memory_space<vmem>>
        %dma_start3A_358 = tpu.memref_slice %arg2[%mul3A_38] : memref<819200xi32, #tpu.memory_space<hbm>> -> memref<128xi32, #tpu.memory_space<hbm>>
        tpu.enqueue_dma source(%dma_start3A_358 : memref<128xi32, #tpu.memory_space<hbm>>) target(%dma_start3A_357 : memref<128xi32, #tpu.memory_space<vmem>>) target_semaphore(%run_scoped3A_350 : memref<!tpu.dma_semaphore, #tpu.memory_space<semaphore_mem>>)
        %dma_wait3A_359 = arith.constant 0 : i32
        %dma_wait3A_360 = tpu.memref_slice %arg5[%run_scoped3A, %dma_wait3A_359] : memref<2x128xi32, #tpu.memory_space<vmem>> -> memref<1x128xi32, #tpu.memory_space<vmem>>
        %dma_wait3A_361 = tpu.memref_squeeze %dma_wait3A_360 : memref<1x128xi32, #tpu.memory_space<vmem>> -> memref<128xi32, #tpu.memory_space<vmem>>
        %dma_wait3A_362 = tpu.memref_slice %arg2[%mul3A_38] : memref<819200xi32, #tpu.memory_space<hbm>> -> memref<128xi32, #tpu.memory_space<hbm>>
        %dma_wait3A_363 = arith.constant 0 : i32
        %dma_wait3A_364 = tpu.memref_slice %arg5[%run_scoped3A, %dma_wait3A_363] : memref<2x128xi32, #tpu.memory_space<vmem>> -> memref<1x128xi32, #tpu.memory_space<vmem>>
        %dma_wait3A_365 = tpu.memref_squeeze %dma_wait3A_364 : memref<1x128xi32, #tpu.memory_space<vmem>> -> memref<128xi32, #tpu.memory_space<vmem>>
        %dma_wait3A_366 = tpu.memref_slice %arg2[%mul3A_38] : memref<819200xi32, #tpu.memory_space<hbm>> -> memref<128xi32, #tpu.memory_space<hbm>>
        tpu.wait_dma2 semaphore(%run_scoped3A_350 : memref<!tpu.dma_semaphore, #tpu.memory_space<semaphore_mem>>) src(%dma_wait3A_366 : memref<128xi32, #tpu.memory_space<hbm>>) dst(%dma_wait3A_365 : memref<128xi32, #tpu.memory_space<vmem>>)
        tpu.yield
      }) : () -> ()
      %dma_start3A = arith.constant 0 : i32
      %dma_start3A_39 = arith.constant 0 : i32
      %dma_start3A_40 = arith.constant 0 : i32
      %dma_start3A_41 = arith.constant 0 : i32
      %dma_start3A_42 = tpu.memref_slice %arg6[%dma_start3A_39, %dma_start3A_40, %dma_start3A_41] : memref<2x128x32xf32, #tpu.memory_space<vmem>> -> memref<1x128x32xf32, #tpu.memory_space<vmem>>
      %dma_start3A_43 = tpu.memref_squeeze %dma_start3A_42 : memref<1x128x32xf32, #tpu.memory_space<vmem>> -> memref<128x32xf32, #tpu.memory_space<vmem>>
      %dma_start3A_44 = arith.constant 0 : i32
      %dma_start3A_45 = tpu.memref_slice %arg5[%dma_start3A, %dma_start3A_44] : memref<2x128xi32, #tpu.memory_space<vmem>> -> memref<1x128xi32, #tpu.memory_space<vmem>>
      %dma_start3A_46 = tpu.memref_squeeze %dma_start3A_45 : memref<1x128xi32, #tpu.memory_space<vmem>> -> memref<128xi32, #tpu.memory_space<vmem>>
      %dma_start3A_47 = arith.constant 0 : i32
      %dma_start3A_48 = arith.constant 0 : i32
      %dma_start3A_49 = tpu.memref_slice %arg3[%dma_start3A_47, %dma_start3A_48] : memref<1000000x32xf32, #tpu.memory_space<hbm>> -> memref<1000000x32xf32, #tpu.memory_space<hbm>>
      tpu.enqueue_indirect_dma source(%dma_start3A_49 : memref<1000000x32xf32, #tpu.memory_space<hbm>>) target(%dma_start3A_43 : memref<128x32xf32, #tpu.memory_space<vmem>>) offsets(%dma_start3A_46 : memref<128xi32, #tpu.memory_space<vmem>>) semaphore(%arg8 : memref<!tpu.dma_semaphore, #tpu.memory_space<semaphore_mem>>)
      %mul3A_50 = arith.constant 2 : i32
      %mul3A_51 = arith.muli %scan3A_29, %mul3A_50 : i32
      %add3A_52 = arith.addi %mul3A_2, %mul3A_51 : i32
      %add3A_53 = arith.constant 1 : i32
      %add3A_54 = arith.addi %add3A_52, %add3A_53 : i32
      %gt3A_55 = arith.constant 0 : i32
      %gt3A_56 = arith.cmpi sgt, %scan3A_29, %gt3A_55 : i32
      %convert_element_type3A_57 = arith.extui %gt3A_56 : i1 to i32
      %cond3A_58 = arith.constant 0 : i32
      %cond3A_59 = arith.cmpi ne, %convert_element_type3A_57, %cond3A_58 : i32
      scf.if %cond3A_59 {
        %dma_wait3A_350 = arith.constant 1 : i32
        %dma_wait3A_351 = arith.constant 0 : i32
        %dma_wait3A_352 = tpu.memref_slice %arg7[%dma_wait3A_350, %dma_wait3A_351] : memref<2x4096xf32, #tpu.memory_space<vmem>> -> memref<1x4096xf32, #tpu.memory_space<vmem>>
        %dma_wait3A_353 = tpu.memref_squeeze %dma_wait3A_352 : memref<1x4096xf32, #tpu.memory_space<vmem>> -> memref<4096xf32, #tpu.memory_space<vmem>>
        %dma_wait3A_354 = arith.constant 0 : i32
        %dma_wait3A_355 = tpu.memref_slice %arg4[%dma_wait3A_354] : memref<26214400xf32, #tpu.memory_space<hbm>> -> memref<4096xf32, #tpu.memory_space<hbm>>
        %dma_wait3A_356 = arith.constant 0 : i32
        %dma_wait3A_357 = tpu.memref_slice %arg7[%dma_wait3A_350, %dma_wait3A_356] : memref<2x4096xf32, #tpu.memory_space<vmem>> -> memref<1x4096xf32, #tpu.memory_space<vmem>>
        %dma_wait3A_358 = tpu.memref_squeeze %dma_wait3A_357 : memref<1x4096xf32, #tpu.memory_space<vmem>> -> memref<4096xf32, #tpu.memory_space<vmem>>
        %dma_wait3A_359 = arith.constant 0 : i32
        %dma_wait3A_360 = tpu.memref_slice %arg4[%dma_wait3A_359] : memref<26214400xf32, #tpu.memory_space<hbm>> -> memref<4096xf32, #tpu.memory_space<hbm>>
        tpu.wait_dma2 semaphore(%arg11 : memref<!tpu.dma_semaphore, #tpu.memory_space<semaphore_mem>>) src(%dma_wait3A_360 : memref<4096xf32, #tpu.memory_space<hbm>>) dst(%dma_wait3A_358 : memref<4096xf32, #tpu.memory_space<vmem>>)
      } else {
      }
      %mul3A_60 = arith.constant 128 : i32
      %mul3A_61 = arith.muli %add3A_54, %mul3A_60 : i32
      %run_scoped3A_62 = arith.constant 1 : i32
      "tpu.region"() ({
        %run_scoped3A_350 = tpu.sem_alloc : memref<!tpu.dma_semaphore, #tpu.memory_space<semaphore_mem>>
        %dma_start3A_351 = arith.constant 0 : i32
        %dma_start3A_352 = tpu.memref_slice %arg5[%run_scoped3A_62, %dma_start3A_351] : memref<2x128xi32, #tpu.memory_space<vmem>> -> memref<1x128xi32, #tpu.memory_space<vmem>>
        %dma_start3A_353 = tpu.memref_squeeze %dma_start3A_352 : memref<1x128xi32, #tpu.memory_space<vmem>> -> memref<128xi32, #tpu.memory_space<vmem>>
        %dma_start3A_354 = tpu.memref_slice %arg2[%mul3A_61] : memref<819200xi32, #tpu.memory_space<hbm>> -> memref<128xi32, #tpu.memory_space<hbm>>
        %dma_start3A_355 = arith.constant 0 : i32
        %dma_start3A_356 = tpu.memref_slice %arg5[%run_scoped3A_62, %dma_start3A_355] : memref<2x128xi32, #tpu.memory_space<vmem>> -> memref<1x128xi32, #tpu.memory_space<vmem>>
        %dma_start3A_357 = tpu.memref_squeeze %dma_start3A_356 : memref<1x128xi32, #tpu.memory_space<vmem>> -> memref<128xi32, #tpu.memory_space<vmem>>
        %dma_start3A_358 = tpu.memref_slice %arg2[%mul3A_61] : memref<819200xi32, #tpu.memory_space<hbm>> -> memref<128xi32, #tpu.memory_space<hbm>>
        tpu.enqueue_dma source(%dma_start3A_358 : memref<128xi32, #tpu.memory_space<hbm>>) target(%dma_start3A_357 : memref<128xi32, #tpu.memory_space<vmem>>) target_semaphore(%run_scoped3A_350 : memref<!tpu.dma_semaphore, #tpu.memory_space<semaphore_mem>>)
        %dma_wait3A_359 = arith.constant 0 : i32
        %dma_wait3A_360 = tpu.memref_slice %arg5[%run_scoped3A_62, %dma_wait3A_359] : memref<2x128xi32, #tpu.memory_space<vmem>> -> memref<1x128xi32, #tpu.memory_space<vmem>>
        %dma_wait3A_361 = tpu.memref_squeeze %dma_wait3A_360 : memref<1x128xi32, #tpu.memory_space<vmem>> -> memref<128xi32, #tpu.memory_space<vmem>>
        %dma_wait3A_362 = tpu.memref_slice %arg2[%mul3A_61] : memref<819200xi32, #tpu.memory_space<hbm>> -> memref<128xi32, #tpu.memory_space<hbm>>
        %dma_wait3A_363 = arith.constant 0 : i32
        %dma_wait3A_364 = tpu.memref_slice %arg5[%run_scoped3A_62, %dma_wait3A_363] : memref<2x128xi32, #tpu.memory_space<vmem>> -> memref<1x128xi32, #tpu.memory_space<vmem>>
        %dma_wait3A_365 = tpu.memref_squeeze %dma_wait3A_364 : memref<1x128xi32, #tpu.memory_space<vmem>> -> memref<128xi32, #tpu.memory_space<vmem>>
        %dma_wait3A_366 = tpu.memref_slice %arg2[%mul3A_61] : memref<819200xi32, #tpu.memory_space<hbm>> -> memref<128xi32, #tpu.memory_space<hbm>>
        tpu.wait_dma2 semaphore(%run_scoped3A_350 : memref<!tpu.dma_semaphore, #tpu.memory_space<semaphore_mem>>) src(%dma_wait3A_366 : memref<128xi32, #tpu.memory_space<hbm>>) dst(%dma_wait3A_365 : memref<128xi32, #tpu.memory_space<vmem>>)
        tpu.yield
      }) : () -> ()
      %dma_start3A_63 = arith.constant 1 : i32
      %dma_start3A_64 = arith.constant 1 : i32
      %dma_start3A_65 = arith.constant 0 : i32
      %dma_start3A_66 = arith.constant 0 : i32
      %dma_start3A_67 = tpu.memref_slice %arg6[%dma_start3A_64, %dma_start3A_65, %dma_start3A_66] : memref<2x128x32xf32, #tpu.memory_space<vmem>> -> memref<1x128x32xf32, #tpu.memory_space<vmem>>
      %dma_start3A_68 = tpu.memref_squeeze %dma_start3A_67 : memref<1x128x32xf32, #tpu.memory_space<vmem>> -> memref<128x32xf32, #tpu.memory_space<vmem>>
      %dma_start3A_69 = arith.constant 0 : i32
      %dma_start3A_70 = tpu.memref_slice %arg5[%dma_start3A_63, %dma_start3A_69] : memref<2x128xi32, #tpu.memory_space<vmem>> -> memref<1x128xi32, #tpu.memory_space<vmem>>
      %dma_start3A_71 = tpu.memref_squeeze %dma_start3A_70 : memref<1x128xi32, #tpu.memory_space<vmem>> -> memref<128xi32, #tpu.memory_space<vmem>>
      %dma_start3A_72 = arith.constant 0 : i32
      %dma_start3A_73 = arith.constant 0 : i32
      %dma_start3A_74 = tpu.memref_slice %arg3[%dma_start3A_72, %dma_start3A_73] : memref<1000000x32xf32, #tpu.memory_space<hbm>> -> memref<1000000x32xf32, #tpu.memory_space<hbm>>
      tpu.enqueue_indirect_dma source(%dma_start3A_74 : memref<1000000x32xf32, #tpu.memory_space<hbm>>) target(%dma_start3A_68 : memref<128x32xf32, #tpu.memory_space<vmem>>) offsets(%dma_start3A_71 : memref<128xi32, #tpu.memory_space<vmem>>) semaphore(%arg9 : memref<!tpu.dma_semaphore, #tpu.memory_space<semaphore_mem>>)
      %dma_wait3A_75 = arith.constant 0 : i32
      %dma_wait3A_76 = arith.constant 0 : i32
      %dma_wait3A_77 = arith.constant 0 : i32
      %dma_wait3A_78 = arith.constant 0 : i32
      %dma_wait3A_79 = tpu.memref_slice %arg6[%dma_wait3A_76, %dma_wait3A_77, %dma_wait3A_78] : memref<2x128x32xf32, #tpu.memory_space<vmem>> -> memref<1x128x32xf32, #tpu.memory_space<vmem>>
      %dma_wait3A_80 = tpu.memref_squeeze %dma_wait3A_79 : memref<1x128x32xf32, #tpu.memory_space<vmem>> -> memref<128x32xf32, #tpu.memory_space<vmem>>
      %dma_wait3A_81 = arith.constant 0 : i32
      %dma_wait3A_82 = tpu.memref_slice %arg5[%dma_wait3A_75, %dma_wait3A_81] : memref<2x128xi32, #tpu.memory_space<vmem>> -> memref<1x128xi32, #tpu.memory_space<vmem>>
      %dma_wait3A_83 = tpu.memref_squeeze %dma_wait3A_82 : memref<1x128xi32, #tpu.memory_space<vmem>> -> memref<128xi32, #tpu.memory_space<vmem>>
      %dma_wait3A_84 = arith.constant 0 : i32
      %dma_wait3A_85 = arith.constant 0 : i32
      %dma_wait3A_86 = tpu.memref_slice %arg3[%dma_wait3A_84, %dma_wait3A_85] : memref<1000000x32xf32, #tpu.memory_space<hbm>> -> memref<1000000x32xf32, #tpu.memory_space<hbm>>
      tpu.wait_indirect_dma semaphore(%arg8 : memref<!tpu.dma_semaphore, #tpu.memory_space<semaphore_mem>>) src(%dma_wait3A_86 : memref<1000000x32xf32, #tpu.memory_space<hbm>>) dst(%dma_wait3A_80 : memref<128x32xf32, #tpu.memory_space<vmem>>)
      %parallel_loop3A = arith.constant 0 : i32
      %parallel_loop3A_87 = arith.constant 32 : i32
      %parallel_loop3A_88 = arith.constant 1 : i32
      scf.for %parallel_loop3A_350 = %parallel_loop3A to %parallel_loop3A_87 step %parallel_loop3A_88  : i32 {
        %parallel_loop3A_351 = vector.broadcast %parallel_loop3A_350 : i32 to vector<16xi32>
        %parallel_loop3A_352 = arith.constant 0 : i32
        %parallel_loop3A_353 = vector.broadcast %parallel_loop3A_352 : i32 to vector<16xi32>
        %parallel_loop3A_354 = arith.addi %parallel_loop3A_353, %iota3A : vector<16xi32>
        %parallel_loop3A_355 = arith.constant 0 : i32
        %parallel_loop3A_356 = arith.constant 0 : i32
        %parallel_loop3A_357 = arith.constant 0 : i32
        %parallel_loop3A_358 = tpu.memref_slice %arg6[%parallel_loop3A_355, %parallel_loop3A_356, %parallel_loop3A_357] : memref<2x128x32xf32, #tpu.memory_space<vmem>> -> memref<1x128x32xf32, #tpu.memory_space<vmem>>
        %parallel_loop3A_359 = tpu.memref_squeeze %parallel_loop3A_358 : memref<1x128x32xf32, #tpu.memory_space<vmem>> -> memref<128x32xf32, #tpu.memory_space<vmem>>
        %parallel_loop3A_360 = tpu.vector_load_idx %parallel_loop3A_359[%parallel_loop3A_354, %parallel_loop3A_351] : memref<128x32xf32, #tpu.memory_space<vmem>>[vector<16xi32>, vector<16xi32>], vector<16xf32>,
        %parallel_loop3A_361 = arith.constant 128 : i32
        %parallel_loop3A_362 = arith.muli %parallel_loop3A_350, %parallel_loop3A_361 : i32
        %parallel_loop3A_363 = arith.constant 0 : i32
        %parallel_loop3A_364 = arith.addi %parallel_loop3A_362, %parallel_loop3A_363 : i32
        %parallel_loop3A_365 = arith.constant 0 : i32
        %parallel_loop3A_366 = arith.index_cast %parallel_loop3A_365 : i32 to index
        %parallel_loop3A_367 = arith.index_cast %parallel_loop3A_364 : i32 to index
        %parallel_loop3A_368 = tpu.vector_load %arg7[%parallel_loop3A_366, %parallel_loop3A_367] {strides = array<i32>} : memref<2x4096xf32, #tpu.memory_space<vmem>>, vector<16xf32>,
        tpu.vector_store %arg7[%parallel_loop3A_366, %parallel_loop3A_367], %parallel_loop3A_360 {strides = array<i32>} : memref<2x4096xf32, #tpu.memory_space<vmem>>, vector<16xf32>,
        %parallel_loop3A_369 = arith.constant 16 : i32
        %parallel_loop3A_370 = vector.broadcast %parallel_loop3A_369 : i32 to vector<16xi32>
        %parallel_loop3A_371 = arith.addi %parallel_loop3A_370, %iota3A : vector<16xi32>
        %parallel_loop3A_372 = arith.constant 0 : i32
        %parallel_loop3A_373 = arith.constant 0 : i32
        %parallel_loop3A_374 = arith.constant 0 : i32
        %parallel_loop3A_375 = tpu.memref_slice %arg6[%parallel_loop3A_372, %parallel_loop3A_373, %parallel_loop3A_374] : memref<2x128x32xf32, #tpu.memory_space<vmem>> -> memref<1x128x32xf32, #tpu.memory_space<vmem>>
        %parallel_loop3A_376 = tpu.memref_squeeze %parallel_loop3A_375 : memref<1x128x32xf32, #tpu.memory_space<vmem>> -> memref<128x32xf32, #tpu.memory_space<vmem>>
        %parallel_loop3A_377 = tpu.vector_load_idx %parallel_loop3A_376[%parallel_loop3A_371, %parallel_loop3A_351] : memref<128x32xf32, #tpu.memory_space<vmem>>[vector<16xi32>, vector<16xi32>], vector<16xf32>,
        %parallel_loop3A_378 = arith.constant 128 : i32
        %parallel_loop3A_379 = arith.muli %parallel_loop3A_350, %parallel_loop3A_378 : i32
        %parallel_loop3A_380 = arith.constant 16 : i32
        %parallel_loop3A_381 = arith.addi %parallel_loop3A_379, %parallel_loop3A_380 : i32
        %parallel_loop3A_382 = arith.constant 0 : i32
        %parallel_loop3A_383 = arith.index_cast %parallel_loop3A_382 : i32 to index
        %parallel_loop3A_384 = arith.index_cast %parallel_loop3A_381 : i32 to index
        %parallel_loop3A_385 = tpu.vector_load %arg7[%parallel_loop3A_383, %parallel_loop3A_384] {strides = array<i32>} : memref<2x4096xf32, #tpu.memory_space<vmem>>, vector<16xf32>,
        tpu.vector_store %arg7[%parallel_loop3A_383, %parallel_loop3A_384], %parallel_loop3A_377 {strides = array<i32>} : memref<2x4096xf32, #tpu.memory_space<vmem>>, vector<16xf32>,
        %parallel_loop3A_386 = arith.constant 32 : i32
        %parallel_loop3A_387 = vector.broadcast %parallel_loop3A_386 : i32 to vector<16xi32>
        %parallel_loop3A_388 = arith.addi %parallel_loop3A_387, %iota3A : vector<16xi32>
        %parallel_loop3A_389 = arith.constant 0 : i32
        %parallel_loop3A_390 = arith.constant 0 : i32
        %parallel_loop3A_391 = arith.constant 0 : i32
        %parallel_loop3A_392 = tpu.memref_slice %arg6[%parallel_loop3A_389, %parallel_loop3A_390, %parallel_loop3A_391] : memref<2x128x32xf32, #tpu.memory_space<vmem>> -> memref<1x128x32xf32, #tpu.memory_space<vmem>>
        %parallel_loop3A_393 = tpu.memref_squeeze %parallel_loop3A_392 : memref<1x128x32xf32, #tpu.memory_space<vmem>> -> memref<128x32xf32, #tpu.memory_space<vmem>>
        %parallel_loop3A_394 = tpu.vector_load_idx %parallel_loop3A_393[%parallel_loop3A_388, %parallel_loop3A_351] : memref<128x32xf32, #tpu.memory_space<vmem>>[vector<16xi32>, vector<16xi32>], vector<16xf32>,
        %parallel_loop3A_395 = arith.constant 128 : i32
        %parallel_loop3A_396 = arith.muli %parallel_loop3A_350, %parallel_loop3A_395 : i32
        %parallel_loop3A_397 = arith.constant 32 : i32
        %parallel_loop3A_398 = arith.addi %parallel_loop3A_396, %parallel_loop3A_397 : i32
        %parallel_loop3A_399 = arith.constant 0 : i32
        %parallel_loop3A_400 = arith.index_cast %parallel_loop3A_399 : i32 to index
        %parallel_loop3A_401 = arith.index_cast %parallel_loop3A_398 : i32 to index
        %parallel_loop3A_402 = tpu.vector_load %arg7[%parallel_loop3A_400, %parallel_loop3A_401] {strides = array<i32>} : memref<2x4096xf32, #tpu.memory_space<vmem>>, vector<16xf32>,
        tpu.vector_store %arg7[%parallel_loop3A_400, %parallel_loop3A_401], %parallel_loop3A_394 {strides = array<i32>} : memref<2x4096xf32, #tpu.memory_space<vmem>>, vector<16xf32>,
        %parallel_loop3A_403 = arith.constant 48 : i32
        %parallel_loop3A_404 = vector.broadcast %parallel_loop3A_403 : i32 to vector<16xi32>
        %parallel_loop3A_405 = arith.addi %parallel_loop3A_404, %iota3A : vector<16xi32>
        %parallel_loop3A_406 = arith.constant 0 : i32
        %parallel_loop3A_407 = arith.constant 0 : i32
        %parallel_loop3A_408 = arith.constant 0 : i32
        %parallel_loop3A_409 = tpu.memref_slice %arg6[%parallel_loop3A_406, %parallel_loop3A_407, %parallel_loop3A_408] : memref<2x128x32xf32, #tpu.memory_space<vmem>> -> memref<1x128x32xf32, #tpu.memory_space<vmem>>
        %parallel_loop3A_410 = tpu.memref_squeeze %parallel_loop3A_409 : memref<1x128x32xf32, #tpu.memory_space<vmem>> -> memref<128x32xf32, #tpu.memory_space<vmem>>
        %parallel_loop3A_411 = tpu.vector_load_idx %parallel_loop3A_410[%parallel_loop3A_405, %parallel_loop3A_351] : memref<128x32xf32, #tpu.memory_space<vmem>>[vector<16xi32>, vector<16xi32>], vector<16xf32>,
        %parallel_loop3A_412 = arith.constant 128 : i32
        %parallel_loop3A_413 = arith.muli %parallel_loop3A_350, %parallel_loop3A_412 : i32
        %parallel_loop3A_414 = arith.constant 48 : i32
        %parallel_loop3A_415 = arith.addi %parallel_loop3A_413, %parallel_loop3A_414 : i32
        %parallel_loop3A_416 = arith.constant 0 : i32
        %parallel_loop3A_417 = arith.index_cast %parallel_loop3A_416 : i32 to index
        %parallel_loop3A_418 = arith.index_cast %parallel_loop3A_415 : i32 to index
        %parallel_loop3A_419 = tpu.vector_load %arg7[%parallel_loop3A_417, %parallel_loop3A_418] {strides = array<i32>} : memref<2x4096xf32, #tpu.memory_space<vmem>>, vector<16xf32>,
        tpu.vector_store %arg7[%parallel_loop3A_417, %parallel_loop3A_418], %parallel_loop3A_411 {strides = array<i32>} : memref<2x4096xf32, #tpu.memory_space<vmem>>, vector<16xf32>,
        %parallel_loop3A_420 = arith.constant 64 : i32
        %parallel_loop3A_421 = vector.broadcast %parallel_loop3A_420 : i32 to vector<16xi32>
        %parallel_loop3A_422 = arith.addi %parallel_loop3A_421, %iota3A : vector<16xi32>
        %parallel_loop3A_423 = arith.constant 0 : i32
        %parallel_loop3A_424 = arith.constant 0 : i32
        %parallel_loop3A_425 = arith.constant 0 : i32
        %parallel_loop3A_426 = tpu.memref_slice %arg6[%parallel_loop3A_423, %parallel_loop3A_424, %parallel_loop3A_425] : memref<2x128x32xf32, #tpu.memory_space<vmem>> -> memref<1x128x32xf32, #tpu.memory_space<vmem>>
        %parallel_loop3A_427 = tpu.memref_squeeze %parallel_loop3A_426 : memref<1x128x32xf32, #tpu.memory_space<vmem>> -> memref<128x32xf32, #tpu.memory_space<vmem>>
        %parallel_loop3A_428 = tpu.vector_load_idx %parallel_loop3A_427[%parallel_loop3A_422, %parallel_loop3A_351] : memref<128x32xf32, #tpu.memory_space<vmem>>[vector<16xi32>, vector<16xi32>], vector<16xf32>,
        %parallel_loop3A_429 = arith.constant 128 : i32
        %parallel_loop3A_430 = arith.muli %parallel_loop3A_350, %parallel_loop3A_429 : i32
        %parallel_loop3A_431 = arith.constant 64 : i32
        %parallel_loop3A_432 = arith.addi %parallel_loop3A_430, %parallel_loop3A_431 : i32
        %parallel_loop3A_433 = arith.constant 0 : i32
        %parallel_loop3A_434 = arith.index_cast %parallel_loop3A_433 : i32 to index
        %parallel_loop3A_435 = arith.index_cast %parallel_loop3A_432 : i32 to index
        %parallel_loop3A_436 = tpu.vector_load %arg7[%parallel_loop3A_434, %parallel_loop3A_435] {strides = array<i32>} : memref<2x4096xf32, #tpu.memory_space<vmem>>, vector<16xf32>,
        tpu.vector_store %arg7[%parallel_loop3A_434, %parallel_loop3A_435], %parallel_loop3A_428 {strides = array<i32>} : memref<2x4096xf32, #tpu.memory_space<vmem>>, vector<16xf32>,
        %parallel_loop3A_437 = arith.constant 80 : i32
        %parallel_loop3A_438 = vector.broadcast %parallel_loop3A_437 : i32 to vector<16xi32>
        %parallel_loop3A_439 = arith.addi %parallel_loop3A_438, %iota3A : vector<16xi32>
        %parallel_loop3A_440 = arith.constant 0 : i32
        %parallel_loop3A_441 = arith.constant 0 : i32
        %parallel_loop3A_442 = arith.constant 0 : i32
        %parallel_loop3A_443 = tpu.memref_slice %arg6[%parallel_loop3A_440, %parallel_loop3A_441, %parallel_loop3A_442] : memref<2x128x32xf32, #tpu.memory_space<vmem>> -> memref<1x128x32xf32, #tpu.memory_space<vmem>>
        %parallel_loop3A_444 = tpu.memref_squeeze %parallel_loop3A_443 : memref<1x128x32xf32, #tpu.memory_space<vmem>> -> memref<128x32xf32, #tpu.memory_space<vmem>>
        %parallel_loop3A_445 = tpu.vector_load_idx %parallel_loop3A_444[%parallel_loop3A_439, %parallel_loop3A_351] : memref<128x32xf32, #tpu.memory_space<vmem>>[vector<16xi32>, vector<16xi32>], vector<16xf32>,
        %parallel_loop3A_446 = arith.constant 128 : i32
        %parallel_loop3A_447 = arith.muli %parallel_loop3A_350, %parallel_loop3A_446 : i32
        %parallel_loop3A_448 = arith.constant 80 : i32
        %parallel_loop3A_449 = arith.addi %parallel_loop3A_447, %parallel_loop3A_448 : i32
        %parallel_loop3A_450 = arith.constant 0 : i32
        %parallel_loop3A_451 = arith.index_cast %parallel_loop3A_450 : i32 to index
        %parallel_loop3A_452 = arith.index_cast %parallel_loop3A_449 : i32 to index
        %parallel_loop3A_453 = tpu.vector_load %arg7[%parallel_loop3A_451, %parallel_loop3A_452] {strides = array<i32>} : memref<2x4096xf32, #tpu.memory_space<vmem>>, vector<16xf32>,
        tpu.vector_store %arg7[%parallel_loop3A_451, %parallel_loop3A_452], %parallel_loop3A_445 {strides = array<i32>} : memref<2x4096xf32, #tpu.memory_space<vmem>>, vector<16xf32>,
        %parallel_loop3A_454 = arith.constant 96 : i32
        %parallel_loop3A_455 = vector.broadcast %parallel_loop3A_454 : i32 to vector<16xi32>
        %parallel_loop3A_456 = arith.addi %parallel_loop3A_455, %iota3A : vector<16xi32>
        %parallel_loop3A_457 = arith.constant 0 : i32
        %parallel_loop3A_458 = arith.constant 0 : i32
        %parallel_loop3A_459 = arith.constant 0 : i32
        %parallel_loop3A_460 = tpu.memref_slice %arg6[%parallel_loop3A_457, %parallel_loop3A_458, %parallel_loop3A_459] : memref<2x128x32xf32, #tpu.memory_space<vmem>> -> memref<1x128x32xf32, #tpu.memory_space<vmem>>
        %parallel_loop3A_461 = tpu.memref_squeeze %parallel_loop3A_460 : memref<1x128x32xf32, #tpu.memory_space<vmem>> -> memref<128x32xf32, #tpu.memory_space<vmem>>
        %parallel_loop3A_462 = tpu.vector_load_idx %parallel_loop3A_461[%parallel_loop3A_456, %parallel_loop3A_351] : memref<128x32xf32, #tpu.memory_space<vmem>>[vector<16xi32>, vector<16xi32>], vector<16xf32>,
        %parallel_loop3A_463 = arith.constant 128 : i32
        %parallel_loop3A_464 = arith.muli %parallel_loop3A_350, %parallel_loop3A_463 : i32
        %parallel_loop3A_465 = arith.constant 96 : i32
        %parallel_loop3A_466 = arith.addi %parallel_loop3A_464, %parallel_loop3A_465 : i32
        %parallel_loop3A_467 = arith.constant 0 : i32
        %parallel_loop3A_468 = arith.index_cast %parallel_loop3A_467 : i32 to index
        %parallel_loop3A_469 = arith.index_cast %parallel_loop3A_466 : i32 to index
        %parallel_loop3A_470 = tpu.vector_load %arg7[%parallel_loop3A_468, %parallel_loop3A_469] {strides = array<i32>} : memref<2x4096xf32, #tpu.memory_space<vmem>>, vector<16xf32>,
        tpu.vector_store %arg7[%parallel_loop3A_468, %parallel_loop3A_469], %parallel_loop3A_462 {strides = array<i32>} : memref<2x4096xf32, #tpu.memory_space<vmem>>, vector<16xf32>,
        %parallel_loop3A_471 = arith.constant 112 : i32
        %parallel_loop3A_472 = vector.broadcast %parallel_loop3A_471 : i32 to vector<16xi32>
        %parallel_loop3A_473 = arith.addi %parallel_loop3A_472, %iota3A : vector<16xi32>
        %parallel_loop3A_474 = arith.constant 0 : i32
        %parallel_loop3A_475 = arith.constant 0 : i32
        %parallel_loop3A_476 = arith.constant 0 : i32
        %parallel_loop3A_477 = tpu.memref_slice %arg6[%parallel_loop3A_474, %parallel_loop3A_475, %parallel_loop3A_476] : memref<2x128x32xf32, #tpu.memory_space<vmem>> -> memref<1x128x32xf32, #tpu.memory_space<vmem>>
        %parallel_loop3A_478 = tpu.memref_squeeze %parallel_loop3A_477 : memref<1x128x32xf32, #tpu.memory_space<vmem>> -> memref<128x32xf32, #tpu.memory_space<vmem>>
        %parallel_loop3A_479 = tpu.vector_load_idx %parallel_loop3A_478[%parallel_loop3A_473, %parallel_loop3A_351] : memref<128x32xf32, #tpu.memory_space<vmem>>[vector<16xi32>, vector<16xi32>], vector<16xf32>,
        %parallel_loop3A_480 = arith.constant 128 : i32
        %parallel_loop3A_481 = arith.muli %parallel_loop3A_350, %parallel_loop3A_480 : i32
        %parallel_loop3A_482 = arith.constant 112 : i32
        %parallel_loop3A_483 = arith.addi %parallel_loop3A_481, %parallel_loop3A_482 : i32
        %parallel_loop3A_484 = arith.constant 0 : i32
        %parallel_loop3A_485 = arith.index_cast %parallel_loop3A_484 : i32 to index
        %parallel_loop3A_486 = arith.index_cast %parallel_loop3A_483 : i32 to index
        %parallel_loop3A_487 = tpu.vector_load %arg7[%parallel_loop3A_485, %parallel_loop3A_486] {strides = array<i32>} : memref<2x4096xf32, #tpu.memory_space<vmem>>, vector<16xf32>,
        tpu.vector_store %arg7[%parallel_loop3A_485, %parallel_loop3A_486], %parallel_loop3A_479 {strides = array<i32>} : memref<2x4096xf32, #tpu.memory_space<vmem>>, vector<16xf32>,
      } {sc.loop_unroll_factor = 8 : i64, sc.parallel_access}
      %jit3A = arith.constant 128 : i32
      %div3A = arith.divsi %add3A_34, %jit3A : i32
      %sign3A = arith.constant 0 : i32
      %sign3A_89 = arith.cmpi sgt, %add3A_34, %sign3A : i32
      %sign3A_90 = arith.extui %sign3A_89 : i1 to i32
      %sign3A_91 = arith.constant 0 : i32
      %sign3A_92 = arith.cmpi slt, %add3A_34, %sign3A_91 : i32
      %sign3A_93 = arith.extui %sign3A_92 : i1 to i32
      %sign3A_94 = arith.subi %sign3A_90, %sign3A_93 : i32
      %sign3A_95 = arith.constant 0 : i32
      %sign3A_96 = arith.cmpi sgt, %jit3A, %sign3A_95 : i32
      %sign3A_97 = arith.extui %sign3A_96 : i1 to i32
      %sign3A_98 = arith.constant 0 : i32
      %sign3A_99 = arith.cmpi slt, %jit3A, %sign3A_98 : i32
      %sign3A_100 = arith.extui %sign3A_99 : i1 to i32
      %sign3A_101 = arith.subi %sign3A_97, %sign3A_100 : i32
      %ne3A = arith.cmpi ne, %sign3A_94, %sign3A_101 : i32
      %rem3A = arith.remsi %add3A_34, %jit3A : i32
      %ne3A_102 = arith.constant 0 : i32
      %ne3A_103 = arith.cmpi ne, %rem3A, %ne3A_102 : i32
      %and3A = arith.andi %ne3A, %ne3A_103 : i1
      %sub3A = arith.constant 1 : i32
      %sub3A_104 = arith.subi %div3A, %sub3A : i32
      %select_n3A = arith.select %and3A, %sub3A_104, %div3A : i32
      %jit3A_105 = arith.constant 128 : i32
      %eq3A = arith.constant 0 : i32
      %eq3A_106 = arith.cmpi eq, %jit3A_105, %eq3A : i32
      %jit3A_107 = arith.constant 1 : i32
      %select_n3A_108 = arith.select %eq3A_106, %jit3A_107, %jit3A_105 : i32
      %rem3A_109 = arith.remsi %add3A_34, %select_n3A_108 : i32
      %ne3A_110 = arith.constant 0 : i32
      %ne3A_111 = arith.cmpi ne, %rem3A_109, %ne3A_110 : i32
      %lt3A = arith.constant 0 : i32
      %lt3A_112 = arith.cmpi slt, %rem3A_109, %lt3A : i32
      %lt3A_113 = arith.constant 0 : i32
      %lt3A_114 = arith.cmpi slt, %select_n3A_108, %lt3A_113 : i32
      %ne3A_115 = arith.xori %lt3A_112, %lt3A_114 : i1
      %and3A_116 = arith.andi %ne3A_115, %ne3A_111 : i1
      %add3A_117 = arith.addi %rem3A_109, %select_n3A_108 : i32
      %select_n3A_118 = arith.select %and3A_116, %add3A_117, %rem3A_109 : i32
      %mul3A_119 = arith.constant 4 : i32
      %mul3A_120 = arith.muli %select_n3A, %mul3A_119 : i32
      %add3A_121 = arith.constant 0 : i32
      %add3A_122 = arith.addi %mul3A_120, %add3A_121 : i32
      %mul3A_123 = arith.constant 128 : i32
      %mul3A_124 = arith.muli %add3A_122, %mul3A_123 : i32
      %add3A_125 = arith.addi %mul3A_124, %select_n3A_118 : i32
      %mul3A_126 = arith.constant 1024 : i32
      %mul3A_127 = arith.muli %add3A_125, %mul3A_126 : i32
      %dma_start3A_128 = arith.constant 0 : i32
      %dma_start3A_129 = arith.constant 0 : i32
      %dma_start3A_130 = tpu.memref_slice %arg7[%dma_start3A_128, %dma_start3A_129] : memref<2x4096xf32, #tpu.memory_space<vmem>> -> memref<1x4096xf32, #tpu.memory_space<vmem>>
      %dma_start3A_131 = tpu.memref_squeeze %dma_start3A_130 : memref<1x4096xf32, #tpu.memory_space<vmem>> -> memref<4096xf32, #tpu.memory_space<vmem>>
      %dma_start3A_132 = arith.constant 0 : i32
      %dma_start3A_133 = tpu.memref_slice %dma_start3A_131[%dma_start3A_132] : memref<4096xf32, #tpu.memory_space<vmem>> -> memref<1024xf32, #tpu.memory_space<vmem>>
      %dma_start3A_134 = tpu.memref_slice %arg4[%mul3A_127] : memref<26214400xf32, #tpu.memory_space<hbm>> -> memref<1024xf32, #tpu.memory_space<hbm>>
      %dma_start3A_135 = tpu.memref_slice %arg4[%mul3A_127] : memref<26214400xf32, #tpu.memory_space<hbm>> -> memref<1024xf32, #tpu.memory_space<hbm>>
      %dma_start3A_136 = arith.constant 0 : i32
      %dma_start3A_137 = tpu.memref_slice %arg7[%dma_start3A_128, %dma_start3A_136] : memref<2x4096xf32, #tpu.memory_space<vmem>> -> memref<1x4096xf32, #tpu.memory_space<vmem>>
      %dma_start3A_138 = tpu.memref_squeeze %dma_start3A_137 : memref<1x4096xf32, #tpu.memory_space<vmem>> -> memref<4096xf32, #tpu.memory_space<vmem>>
      %dma_start3A_139 = arith.constant 0 : i32
      %dma_start3A_140 = tpu.memref_slice %dma_start3A_138[%dma_start3A_139] : memref<4096xf32, #tpu.memory_space<vmem>> -> memref<1024xf32, #tpu.memory_space<vmem>>
      tpu.enqueue_dma source(%dma_start3A_140 : memref<1024xf32, #tpu.memory_space<vmem>>) target(%dma_start3A_135 : memref<1024xf32, #tpu.memory_space<hbm>>) target_semaphore(%arg10 : memref<!tpu.dma_semaphore, #tpu.memory_space<semaphore_mem>>)
      %mul3A_141 = arith.constant 4 : i32
      %mul3A_142 = arith.muli %select_n3A, %mul3A_141 : i32
      %add3A_143 = arith.constant 1 : i32
      %add3A_144 = arith.addi %mul3A_142, %add3A_143 : i32
      %mul3A_145 = arith.constant 128 : i32
      %mul3A_146 = arith.muli %add3A_144, %mul3A_145 : i32
      %add3A_147 = arith.addi %mul3A_146, %select_n3A_118 : i32
      %mul3A_148 = arith.constant 1024 : i32
      %mul3A_149 = arith.muli %add3A_147, %mul3A_148 : i32
      %dma_start3A_150 = arith.constant 0 : i32
      %dma_start3A_151 = arith.constant 0 : i32
      %dma_start3A_152 = tpu.memref_slice %arg7[%dma_start3A_150, %dma_start3A_151] : memref<2x4096xf32, #tpu.memory_space<vmem>> -> memref<1x4096xf32, #tpu.memory_space<vmem>>
      %dma_start3A_153 = tpu.memref_squeeze %dma_start3A_152 : memref<1x4096xf32, #tpu.memory_space<vmem>> -> memref<4096xf32, #tpu.memory_space<vmem>>
      %dma_start3A_154 = arith.constant 1024 : i32
      %dma_start3A_155 = tpu.memref_slice %dma_start3A_153[%dma_start3A_154] : memref<4096xf32, #tpu.memory_space<vmem>> -> memref<1024xf32, #tpu.memory_space<vmem>>
      %dma_start3A_156 = tpu.memref_slice %arg4[%mul3A_149] : memref<26214400xf32, #tpu.memory_space<hbm>> -> memref<1024xf32, #tpu.memory_space<hbm>>
      %dma_start3A_157 = tpu.memref_slice %arg4[%mul3A_149] : memref<26214400xf32, #tpu.memory_space<hbm>> -> memref<1024xf32, #tpu.memory_space<hbm>>
      %dma_start3A_158 = arith.constant 0 : i32
      %dma_start3A_159 = tpu.memref_slice %arg7[%dma_start3A_150, %dma_start3A_158] : memref<2x4096xf32, #tpu.memory_space<vmem>> -> memref<1x4096xf32, #tpu.memory_space<vmem>>
      %dma_start3A_160 = tpu.memref_squeeze %dma_start3A_159 : memref<1x4096xf32, #tpu.memory_space<vmem>> -> memref<4096xf32, #tpu.memory_space<vmem>>
      %dma_start3A_161 = arith.constant 1024 : i32
      %dma_start3A_162 = tpu.memref_slice %dma_start3A_160[%dma_start3A_161] : memref<4096xf32, #tpu.memory_space<vmem>> -> memref<1024xf32, #tpu.memory_space<vmem>>
      tpu.enqueue_dma source(%dma_start3A_162 : memref<1024xf32, #tpu.memory_space<vmem>>) target(%dma_start3A_157 : memref<1024xf32, #tpu.memory_space<hbm>>) target_semaphore(%arg10 : memref<!tpu.dma_semaphore, #tpu.memory_space<semaphore_mem>>)
      %mul3A_163 = arith.constant 4 : i32
      %mul3A_164 = arith.muli %select_n3A, %mul3A_163 : i32
      %add3A_165 = arith.constant 2 : i32
      %add3A_166 = arith.addi %mul3A_164, %add3A_165 : i32
      %mul3A_167 = arith.constant 128 : i32
      %mul3A_168 = arith.muli %add3A_166, %mul3A_167 : i32
      %add3A_169 = arith.addi %mul3A_168, %select_n3A_118 : i32
      %mul3A_170 = arith.constant 1024 : i32
      %mul3A_171 = arith.muli %add3A_169, %mul3A_170 : i32
      %dma_start3A_172 = arith.constant 0 : i32
      %dma_start3A_173 = arith.constant 0 : i32
      %dma_start3A_174 = tpu.memref_slice %arg7[%dma_start3A_172, %dma_start3A_173] : memref<2x4096xf32, #tpu.memory_space<vmem>> -> memref<1x4096xf32, #tpu.memory_space<vmem>>
      %dma_start3A_175 = tpu.memref_squeeze %dma_start3A_174 : memref<1x4096xf32, #tpu.memory_space<vmem>> -> memref<4096xf32, #tpu.memory_space<vmem>>
      %dma_start3A_176 = arith.constant 2048 : i32
      %dma_start3A_177 = tpu.memref_slice %dma_start3A_175[%dma_start3A_176] : memref<4096xf32, #tpu.memory_space<vmem>> -> memref<1024xf32, #tpu.memory_space<vmem>>
      %dma_start3A_178 = tpu.memref_slice %arg4[%mul3A_171] : memref<26214400xf32, #tpu.memory_space<hbm>> -> memref<1024xf32, #tpu.memory_space<hbm>>
      %dma_start3A_179 = tpu.memref_slice %arg4[%mul3A_171] : memref<26214400xf32, #tpu.memory_space<hbm>> -> memref<1024xf32, #tpu.memory_space<hbm>>
      %dma_start3A_180 = arith.constant 0 : i32
      %dma_start3A_181 = tpu.memref_slice %arg7[%dma_start3A_172, %dma_start3A_180] : memref<2x4096xf32, #tpu.memory_space<vmem>> -> memref<1x4096xf32, #tpu.memory_space<vmem>>
      %dma_start3A_182 = tpu.memref_squeeze %dma_start3A_181 : memref<1x4096xf32, #tpu.memory_space<vmem>> -> memref<4096xf32, #tpu.memory_space<vmem>>
      %dma_start3A_183 = arith.constant 2048 : i32
      %dma_start3A_184 = tpu.memref_slice %dma_start3A_182[%dma_start3A_183] : memref<4096xf32, #tpu.memory_space<vmem>> -> memref<1024xf32, #tpu.memory_space<vmem>>
      tpu.enqueue_dma source(%dma_start3A_184 : memref<1024xf32, #tpu.memory_space<vmem>>) target(%dma_start3A_179 : memref<1024xf32, #tpu.memory_space<hbm>>) target_semaphore(%arg10 : memref<!tpu.dma_semaphore, #tpu.memory_space<semaphore_mem>>)
      %mul3A_185 = arith.constant 4 : i32
      %mul3A_186 = arith.muli %select_n3A, %mul3A_185 : i32
      %add3A_187 = arith.constant 3 : i32
      %add3A_188 = arith.addi %mul3A_186, %add3A_187 : i32
      %mul3A_189 = arith.constant 128 : i32
      %mul3A_190 = arith.muli %add3A_188, %mul3A_189 : i32
      %add3A_191 = arith.addi %mul3A_190, %select_n3A_118 : i32
      %mul3A_192 = arith.constant 1024 : i32
      %mul3A_193 = arith.muli %add3A_191, %mul3A_192 : i32
      %dma_start3A_194 = arith.constant 0 : i32
      %dma_start3A_195 = arith.constant 0 : i32
      %dma_start3A_196 = tpu.memref_slice %arg7[%dma_start3A_194, %dma_start3A_195] : memref<2x4096xf32, #tpu.memory_space<vmem>> -> memref<1x4096xf32, #tpu.memory_space<vmem>>
      %dma_start3A_197 = tpu.memref_squeeze %dma_start3A_196 : memref<1x4096xf32, #tpu.memory_space<vmem>> -> memref<4096xf32, #tpu.memory_space<vmem>>
      %dma_start3A_198 = arith.constant 3072 : i32
      %dma_start3A_199 = tpu.memref_slice %dma_start3A_197[%dma_start3A_198] : memref<4096xf32, #tpu.memory_space<vmem>> -> memref<1024xf32, #tpu.memory_space<vmem>>
      %dma_start3A_200 = tpu.memref_slice %arg4[%mul3A_193] : memref<26214400xf32, #tpu.memory_space<hbm>> -> memref<1024xf32, #tpu.memory_space<hbm>>
      %dma_start3A_201 = tpu.memref_slice %arg4[%mul3A_193] : memref<26214400xf32, #tpu.memory_space<hbm>> -> memref<1024xf32, #tpu.memory_space<hbm>>
      %dma_start3A_202 = arith.constant 0 : i32
      %dma_start3A_203 = tpu.memref_slice %arg7[%dma_start3A_194, %dma_start3A_202] : memref<2x4096xf32, #tpu.memory_space<vmem>> -> memref<1x4096xf32, #tpu.memory_space<vmem>>
      %dma_start3A_204 = tpu.memref_squeeze %dma_start3A_203 : memref<1x4096xf32, #tpu.memory_space<vmem>> -> memref<4096xf32, #tpu.memory_space<vmem>>
      %dma_start3A_205 = arith.constant 3072 : i32
      %dma_start3A_206 = tpu.memref_slice %dma_start3A_204[%dma_start3A_205] : memref<4096xf32, #tpu.memory_space<vmem>> -> memref<1024xf32, #tpu.memory_space<vmem>>
      tpu.enqueue_dma source(%dma_start3A_206 : memref<1024xf32, #tpu.memory_space<vmem>>) target(%dma_start3A_201 : memref<1024xf32, #tpu.memory_space<hbm>>) target_semaphore(%arg10 : memref<!tpu.dma_semaphore, #tpu.memory_space<semaphore_mem>>)
      %dma_wait3A_207 = arith.constant 1 : i32
      %dma_wait3A_208 = arith.constant 1 : i32
      %dma_wait3A_209 = arith.constant 0 : i32
      %dma_wait3A_210 = arith.constant 0 : i32
      %dma_wait3A_211 = tpu.memref_slice %arg6[%dma_wait3A_208, %dma_wait3A_209, %dma_wait3A_210] : memref<2x128x32xf32, #tpu.memory_space<vmem>> -> memref<1x128x32xf32, #tpu.memory_space<vmem>>
      %dma_wait3A_212 = tpu.memref_squeeze %dma_wait3A_211 : memref<1x128x32xf32, #tpu.memory_space<vmem>> -> memref<128x32xf32, #tpu.memory_space<vmem>>
      %dma_wait3A_213 = arith.constant 0 : i32
      %dma_wait3A_214 = tpu.memref_slice %arg5[%dma_wait3A_207, %dma_wait3A_213] : memref<2x128xi32, #tpu.memory_space<vmem>> -> memref<1x128xi32, #tpu.memory_space<vmem>>
      %dma_wait3A_215 = tpu.memref_squeeze %dma_wait3A_214 : memref<1x128xi32, #tpu.memory_space<vmem>> -> memref<128xi32, #tpu.memory_space<vmem>>
      %dma_wait3A_216 = arith.constant 0 : i32
      %dma_wait3A_217 = arith.constant 0 : i32
      %dma_wait3A_218 = tpu.memref_slice %arg3[%dma_wait3A_216, %dma_wait3A_217] : memref<1000000x32xf32, #tpu.memory_space<hbm>> -> memref<1000000x32xf32, #tpu.memory_space<hbm>>
      tpu.wait_indirect_dma semaphore(%arg9 : memref<!tpu.dma_semaphore, #tpu.memory_space<semaphore_mem>>) src(%dma_wait3A_218 : memref<1000000x32xf32, #tpu.memory_space<hbm>>) dst(%dma_wait3A_212 : memref<128x32xf32, #tpu.memory_space<vmem>>)
      %parallel_loop3A_219 = arith.constant 0 : i32
      %parallel_loop3A_220 = arith.constant 32 : i32
      %parallel_loop3A_221 = arith.constant 1 : i32
      scf.for %parallel_loop3A_350 = %parallel_loop3A_219 to %parallel_loop3A_220 step %parallel_loop3A_221  : i32 {
        %parallel_loop3A_351 = vector.broadcast %parallel_loop3A_350 : i32 to vector<16xi32>
        %parallel_loop3A_352 = arith.constant 0 : i32
        %parallel_loop3A_353 = vector.broadcast %parallel_loop3A_352 : i32 to vector<16xi32>
        %parallel_loop3A_354 = arith.addi %parallel_loop3A_353, %iota3A : vector<16xi32>
        %parallel_loop3A_355 = arith.constant 1 : i32
        %parallel_loop3A_356 = arith.constant 0 : i32
        %parallel_loop3A_357 = arith.constant 0 : i32
        %parallel_loop3A_358 = tpu.memref_slice %arg6[%parallel_loop3A_355, %parallel_loop3A_356, %parallel_loop3A_357] : memref<2x128x32xf32, #tpu.memory_space<vmem>> -> memref<1x128x32xf32, #tpu.memory_space<vmem>>
        %parallel_loop3A_359 = tpu.memref_squeeze %parallel_loop3A_358 : memref<1x128x32xf32, #tpu.memory_space<vmem>> -> memref<128x32xf32, #tpu.memory_space<vmem>>
        %parallel_loop3A_360 = tpu.vector_load_idx %parallel_loop3A_359[%parallel_loop3A_354, %parallel_loop3A_351] : memref<128x32xf32, #tpu.memory_space<vmem>>[vector<16xi32>, vector<16xi32>], vector<16xf32>,
        %parallel_loop3A_361 = arith.constant 128 : i32
        %parallel_loop3A_362 = arith.muli %parallel_loop3A_350, %parallel_loop3A_361 : i32
        %parallel_loop3A_363 = arith.constant 0 : i32
        %parallel_loop3A_364 = arith.addi %parallel_loop3A_362, %parallel_loop3A_363 : i32
        %parallel_loop3A_365 = arith.constant 1 : i32
        %parallel_loop3A_366 = arith.index_cast %parallel_loop3A_365 : i32 to index
        %parallel_loop3A_367 = arith.index_cast %parallel_loop3A_364 : i32 to index
        %parallel_loop3A_368 = tpu.vector_load %arg7[%parallel_loop3A_366, %parallel_loop3A_367] {strides = array<i32>} : memref<2x4096xf32, #tpu.memory_space<vmem>>, vector<16xf32>,
        tpu.vector_store %arg7[%parallel_loop3A_366, %parallel_loop3A_367], %parallel_loop3A_360 {strides = array<i32>} : memref<2x4096xf32, #tpu.memory_space<vmem>>, vector<16xf32>,
        %parallel_loop3A_369 = arith.constant 16 : i32
        %parallel_loop3A_370 = vector.broadcast %parallel_loop3A_369 : i32 to vector<16xi32>
        %parallel_loop3A_371 = arith.addi %parallel_loop3A_370, %iota3A : vector<16xi32>
        %parallel_loop3A_372 = arith.constant 1 : i32
        %parallel_loop3A_373 = arith.constant 0 : i32
        %parallel_loop3A_374 = arith.constant 0 : i32
        %parallel_loop3A_375 = tpu.memref_slice %arg6[%parallel_loop3A_372, %parallel_loop3A_373, %parallel_loop3A_374] : memref<2x128x32xf32, #tpu.memory_space<vmem>> -> memref<1x128x32xf32, #tpu.memory_space<vmem>>
        %parallel_loop3A_376 = tpu.memref_squeeze %parallel_loop3A_375 : memref<1x128x32xf32, #tpu.memory_space<vmem>> -> memref<128x32xf32, #tpu.memory_space<vmem>>
        %parallel_loop3A_377 = tpu.vector_load_idx %parallel_loop3A_376[%parallel_loop3A_371, %parallel_loop3A_351] : memref<128x32xf32, #tpu.memory_space<vmem>>[vector<16xi32>, vector<16xi32>], vector<16xf32>,
        %parallel_loop3A_378 = arith.constant 128 : i32
        %parallel_loop3A_379 = arith.muli %parallel_loop3A_350, %parallel_loop3A_378 : i32
        %parallel_loop3A_380 = arith.constant 16 : i32
        %parallel_loop3A_381 = arith.addi %parallel_loop3A_379, %parallel_loop3A_380 : i32
        %parallel_loop3A_382 = arith.constant 1 : i32
        %parallel_loop3A_383 = arith.index_cast %parallel_loop3A_382 : i32 to index
        %parallel_loop3A_384 = arith.index_cast %parallel_loop3A_381 : i32 to index
        %parallel_loop3A_385 = tpu.vector_load %arg7[%parallel_loop3A_383, %parallel_loop3A_384] {strides = array<i32>} : memref<2x4096xf32, #tpu.memory_space<vmem>>, vector<16xf32>,
        tpu.vector_store %arg7[%parallel_loop3A_383, %parallel_loop3A_384], %parallel_loop3A_377 {strides = array<i32>} : memref<2x4096xf32, #tpu.memory_space<vmem>>, vector<16xf32>,
        %parallel_loop3A_386 = arith.constant 32 : i32
        %parallel_loop3A_387 = vector.broadcast %parallel_loop3A_386 : i32 to vector<16xi32>
        %parallel_loop3A_388 = arith.addi %parallel_loop3A_387, %iota3A : vector<16xi32>
        %parallel_loop3A_389 = arith.constant 1 : i32
        %parallel_loop3A_390 = arith.constant 0 : i32
        %parallel_loop3A_391 = arith.constant 0 : i32
        %parallel_loop3A_392 = tpu.memref_slice %arg6[%parallel_loop3A_389, %parallel_loop3A_390, %parallel_loop3A_391] : memref<2x128x32xf32, #tpu.memory_space<vmem>> -> memref<1x128x32xf32, #tpu.memory_space<vmem>>
        %parallel_loop3A_393 = tpu.memref_squeeze %parallel_loop3A_392 : memref<1x128x32xf32, #tpu.memory_space<vmem>> -> memref<128x32xf32, #tpu.memory_space<vmem>>
        %parallel_loop3A_394 = tpu.vector_load_idx %parallel_loop3A_393[%parallel_loop3A_388, %parallel_loop3A_351] : memref<128x32xf32, #tpu.memory_space<vmem>>[vector<16xi32>, vector<16xi32>], vector<16xf32>,
        %parallel_loop3A_395 = arith.constant 128 : i32
        %parallel_loop3A_396 = arith.muli %parallel_loop3A_350, %parallel_loop3A_395 : i32
        %parallel_loop3A_397 = arith.constant 32 : i32
        %parallel_loop3A_398 = arith.addi %parallel_loop3A_396, %parallel_loop3A_397 : i32
        %parallel_loop3A_399 = arith.constant 1 : i32
        %parallel_loop3A_400 = arith.index_cast %parallel_loop3A_399 : i32 to index
        %parallel_loop3A_401 = arith.index_cast %parallel_loop3A_398 : i32 to index
        %parallel_loop3A_402 = tpu.vector_load %arg7[%parallel_loop3A_400, %parallel_loop3A_401] {strides = array<i32>} : memref<2x4096xf32, #tpu.memory_space<vmem>>, vector<16xf32>,
        tpu.vector_store %arg7[%parallel_loop3A_400, %parallel_loop3A_401], %parallel_loop3A_394 {strides = array<i32>} : memref<2x4096xf32, #tpu.memory_space<vmem>>, vector<16xf32>,
        %parallel_loop3A_403 = arith.constant 48 : i32
        %parallel_loop3A_404 = vector.broadcast %parallel_loop3A_403 : i32 to vector<16xi32>
        %parallel_loop3A_405 = arith.addi %parallel_loop3A_404, %iota3A : vector<16xi32>
        %parallel_loop3A_406 = arith.constant 1 : i32
        %parallel_loop3A_407 = arith.constant 0 : i32
        %parallel_loop3A_408 = arith.constant 0 : i32
        %parallel_loop3A_409 = tpu.memref_slice %arg6[%parallel_loop3A_406, %parallel_loop3A_407, %parallel_loop3A_408] : memref<2x128x32xf32, #tpu.memory_space<vmem>> -> memref<1x128x32xf32, #tpu.memory_space<vmem>>
        %parallel_loop3A_410 = tpu.memref_squeeze %parallel_loop3A_409 : memref<1x128x32xf32, #tpu.memory_space<vmem>> -> memref<128x32xf32, #tpu.memory_space<vmem>>
        %parallel_loop3A_411 = tpu.vector_load_idx %parallel_loop3A_410[%parallel_loop3A_405, %parallel_loop3A_351] : memref<128x32xf32, #tpu.memory_space<vmem>>[vector<16xi32>, vector<16xi32>], vector<16xf32>,
        %parallel_loop3A_412 = arith.constant 128 : i32
        %parallel_loop3A_413 = arith.muli %parallel_loop3A_350, %parallel_loop3A_412 : i32
        %parallel_loop3A_414 = arith.constant 48 : i32
        %parallel_loop3A_415 = arith.addi %parallel_loop3A_413, %parallel_loop3A_414 : i32
        %parallel_loop3A_416 = arith.constant 1 : i32
        %parallel_loop3A_417 = arith.index_cast %parallel_loop3A_416 : i32 to index
        %parallel_loop3A_418 = arith.index_cast %parallel_loop3A_415 : i32 to index
        %parallel_loop3A_419 = tpu.vector_load %arg7[%parallel_loop3A_417, %parallel_loop3A_418] {strides = array<i32>} : memref<2x4096xf32, #tpu.memory_space<vmem>>, vector<16xf32>,
        tpu.vector_store %arg7[%parallel_loop3A_417, %parallel_loop3A_418], %parallel_loop3A_411 {strides = array<i32>} : memref<2x4096xf32, #tpu.memory_space<vmem>>, vector<16xf32>,
        %parallel_loop3A_420 = arith.constant 64 : i32
        %parallel_loop3A_421 = vector.broadcast %parallel_loop3A_420 : i32 to vector<16xi32>
        %parallel_loop3A_422 = arith.addi %parallel_loop3A_421, %iota3A : vector<16xi32>
        %parallel_loop3A_423 = arith.constant 1 : i32
        %parallel_loop3A_424 = arith.constant 0 : i32
        %parallel_loop3A_425 = arith.constant 0 : i32
        %parallel_loop3A_426 = tpu.memref_slice %arg6[%parallel_loop3A_423, %parallel_loop3A_424, %parallel_loop3A_425] : memref<2x128x32xf32, #tpu.memory_space<vmem>> -> memref<1x128x32xf32, #tpu.memory_space<vmem>>
        %parallel_loop3A_427 = tpu.memref_squeeze %parallel_loop3A_426 : memref<1x128x32xf32, #tpu.memory_space<vmem>> -> memref<128x32xf32, #tpu.memory_space<vmem>>
        %parallel_loop3A_428 = tpu.vector_load_idx %parallel_loop3A_427[%parallel_loop3A_422, %parallel_loop3A_351] : memref<128x32xf32, #tpu.memory_space<vmem>>[vector<16xi32>, vector<16xi32>], vector<16xf32>,
        %parallel_loop3A_429 = arith.constant 128 : i32
        %parallel_loop3A_430 = arith.muli %parallel_loop3A_350, %parallel_loop3A_429 : i32
        %parallel_loop3A_431 = arith.constant 64 : i32
        %parallel_loop3A_432 = arith.addi %parallel_loop3A_430, %parallel_loop3A_431 : i32
        %parallel_loop3A_433 = arith.constant 1 : i32
        %parallel_loop3A_434 = arith.index_cast %parallel_loop3A_433 : i32 to index
        %parallel_loop3A_435 = arith.index_cast %parallel_loop3A_432 : i32 to index
        %parallel_loop3A_436 = tpu.vector_load %arg7[%parallel_loop3A_434, %parallel_loop3A_435] {strides = array<i32>} : memref<2x4096xf32, #tpu.memory_space<vmem>>, vector<16xf32>,
        tpu.vector_store %arg7[%parallel_loop3A_434, %parallel_loop3A_435], %parallel_loop3A_428 {strides = array<i32>} : memref<2x4096xf32, #tpu.memory_space<vmem>>, vector<16xf32>,
        %parallel_loop3A_437 = arith.constant 80 : i32
        %parallel_loop3A_438 = vector.broadcast %parallel_loop3A_437 : i32 to vector<16xi32>
        %parallel_loop3A_439 = arith.addi %parallel_loop3A_438, %iota3A : vector<16xi32>
        %parallel_loop3A_440 = arith.constant 1 : i32
        %parallel_loop3A_441 = arith.constant 0 : i32
        %parallel_loop3A_442 = arith.constant 0 : i32
        %parallel_loop3A_443 = tpu.memref_slice %arg6[%parallel_loop3A_440, %parallel_loop3A_441, %parallel_loop3A_442] : memref<2x128x32xf32, #tpu.memory_space<vmem>> -> memref<1x128x32xf32, #tpu.memory_space<vmem>>
        %parallel_loop3A_444 = tpu.memref_squeeze %parallel_loop3A_443 : memref<1x128x32xf32, #tpu.memory_space<vmem>> -> memref<128x32xf32, #tpu.memory_space<vmem>>
        %parallel_loop3A_445 = tpu.vector_load_idx %parallel_loop3A_444[%parallel_loop3A_439, %parallel_loop3A_351] : memref<128x32xf32, #tpu.memory_space<vmem>>[vector<16xi32>, vector<16xi32>], vector<16xf32>,
        %parallel_loop3A_446 = arith.constant 128 : i32
        %parallel_loop3A_447 = arith.muli %parallel_loop3A_350, %parallel_loop3A_446 : i32
        %parallel_loop3A_448 = arith.constant 80 : i32
        %parallel_loop3A_449 = arith.addi %parallel_loop3A_447, %parallel_loop3A_448 : i32
        %parallel_loop3A_450 = arith.constant 1 : i32
        %parallel_loop3A_451 = arith.index_cast %parallel_loop3A_450 : i32 to index
        %parallel_loop3A_452 = arith.index_cast %parallel_loop3A_449 : i32 to index
        %parallel_loop3A_453 = tpu.vector_load %arg7[%parallel_loop3A_451, %parallel_loop3A_452] {strides = array<i32>} : memref<2x4096xf32, #tpu.memory_space<vmem>>, vector<16xf32>,
        tpu.vector_store %arg7[%parallel_loop3A_451, %parallel_loop3A_452], %parallel_loop3A_445 {strides = array<i32>} : memref<2x4096xf32, #tpu.memory_space<vmem>>, vector<16xf32>,
        %parallel_loop3A_454 = arith.constant 96 : i32
        %parallel_loop3A_455 = vector.broadcast %parallel_loop3A_454 : i32 to vector<16xi32>
        %parallel_loop3A_456 = arith.addi %parallel_loop3A_455, %iota3A : vector<16xi32>
        %parallel_loop3A_457 = arith.constant 1 : i32
        %parallel_loop3A_458 = arith.constant 0 : i32
        %parallel_loop3A_459 = arith.constant 0 : i32
        %parallel_loop3A_460 = tpu.memref_slice %arg6[%parallel_loop3A_457, %parallel_loop3A_458, %parallel_loop3A_459] : memref<2x128x32xf32, #tpu.memory_space<vmem>> -> memref<1x128x32xf32, #tpu.memory_space<vmem>>
        %parallel_loop3A_461 = tpu.memref_squeeze %parallel_loop3A_460 : memref<1x128x32xf32, #tpu.memory_space<vmem>> -> memref<128x32xf32, #tpu.memory_space<vmem>>
        %parallel_loop3A_462 = tpu.vector_load_idx %parallel_loop3A_461[%parallel_loop3A_456, %parallel_loop3A_351] : memref<128x32xf32, #tpu.memory_space<vmem>>[vector<16xi32>, vector<16xi32>], vector<16xf32>,
        %parallel_loop3A_463 = arith.constant 128 : i32
        %parallel_loop3A_464 = arith.muli %parallel_loop3A_350, %parallel_loop3A_463 : i32
        %parallel_loop3A_465 = arith.constant 96 : i32
        %parallel_loop3A_466 = arith.addi %parallel_loop3A_464, %parallel_loop3A_465 : i32
        %parallel_loop3A_467 = arith.constant 1 : i32
        %parallel_loop3A_468 = arith.index_cast %parallel_loop3A_467 : i32 to index
        %parallel_loop3A_469 = arith.index_cast %parallel_loop3A_466 : i32 to index
        %parallel_loop3A_470 = tpu.vector_load %arg7[%parallel_loop3A_468, %parallel_loop3A_469] {strides = array<i32>} : memref<2x4096xf32, #tpu.memory_space<vmem>>, vector<16xf32>,
        tpu.vector_store %arg7[%parallel_loop3A_468, %parallel_loop3A_469], %parallel_loop3A_462 {strides = array<i32>} : memref<2x4096xf32, #tpu.memory_space<vmem>>, vector<16xf32>,
        %parallel_loop3A_471 = arith.constant 112 : i32
        %parallel_loop3A_472 = vector.broadcast %parallel_loop3A_471 : i32 to vector<16xi32>
        %parallel_loop3A_473 = arith.addi %parallel_loop3A_472, %iota3A : vector<16xi32>
        %parallel_loop3A_474 = arith.constant 1 : i32
        %parallel_loop3A_475 = arith.constant 0 : i32
        %parallel_loop3A_476 = arith.constant 0 : i32
        %parallel_loop3A_477 = tpu.memref_slice %arg6[%parallel_loop3A_474, %parallel_loop3A_475, %parallel_loop3A_476] : memref<2x128x32xf32, #tpu.memory_space<vmem>> -> memref<1x128x32xf32, #tpu.memory_space<vmem>>
        %parallel_loop3A_478 = tpu.memref_squeeze %parallel_loop3A_477 : memref<1x128x32xf32, #tpu.memory_space<vmem>> -> memref<128x32xf32, #tpu.memory_space<vmem>>
        %parallel_loop3A_479 = tpu.vector_load_idx %parallel_loop3A_478[%parallel_loop3A_473, %parallel_loop3A_351] : memref<128x32xf32, #tpu.memory_space<vmem>>[vector<16xi32>, vector<16xi32>], vector<16xf32>,
        %parallel_loop3A_480 = arith.constant 128 : i32
        %parallel_loop3A_481 = arith.muli %parallel_loop3A_350, %parallel_loop3A_480 : i32
        %parallel_loop3A_482 = arith.constant 112 : i32
        %parallel_loop3A_483 = arith.addi %parallel_loop3A_481, %parallel_loop3A_482 : i32
        %parallel_loop3A_484 = arith.constant 1 : i32
        %parallel_loop3A_485 = arith.index_cast %parallel_loop3A_484 : i32 to index
        %parallel_loop3A_486 = arith.index_cast %parallel_loop3A_483 : i32 to index
        %parallel_loop3A_487 = tpu.vector_load %arg7[%parallel_loop3A_485, %parallel_loop3A_486] {strides = array<i32>} : memref<2x4096xf32, #tpu.memory_space<vmem>>, vector<16xf32>,
        tpu.vector_store %arg7[%parallel_loop3A_485, %parallel_loop3A_486], %parallel_loop3A_479 {strides = array<i32>} : memref<2x4096xf32, #tpu.memory_space<vmem>>, vector<16xf32>,
      } {sc.loop_unroll_factor = 8 : i64, sc.parallel_access}
      %jit3A_222 = arith.constant 128 : i32
      %div3A_223 = arith.divsi %add3A_54, %jit3A_222 : i32
      %sign3A_224 = arith.constant 0 : i32
      %sign3A_225 = arith.cmpi sgt, %add3A_54, %sign3A_224 : i32
      %sign3A_226 = arith.extui %sign3A_225 : i1 to i32
      %sign3A_227 = arith.constant 0 : i32
      %sign3A_228 = arith.cmpi slt, %add3A_54, %sign3A_227 : i32
      %sign3A_229 = arith.extui %sign3A_228 : i1 to i32
      %sign3A_230 = arith.subi %sign3A_226, %sign3A_229 : i32
      %sign3A_231 = arith.constant 0 : i32
      %sign3A_232 = arith.cmpi sgt, %jit3A_222, %sign3A_231 : i32
      %sign3A_233 = arith.extui %sign3A_232 : i1 to i32
      %sign3A_234 = arith.constant 0 : i32
      %sign3A_235 = arith.cmpi slt, %jit3A_222, %sign3A_234 : i32
      %sign3A_236 = arith.extui %sign3A_235 : i1 to i32
      %sign3A_237 = arith.subi %sign3A_233, %sign3A_236 : i32
      %ne3A_238 = arith.cmpi ne, %sign3A_230, %sign3A_237 : i32
      %rem3A_239 = arith.remsi %add3A_54, %jit3A_222 : i32
      %ne3A_240 = arith.constant 0 : i32
      %ne3A_241 = arith.cmpi ne, %rem3A_239, %ne3A_240 : i32
      %and3A_242 = arith.andi %ne3A_238, %ne3A_241 : i1
      %sub3A_243 = arith.constant 1 : i32
      %sub3A_244 = arith.subi %div3A_223, %sub3A_243 : i32
      %select_n3A_245 = arith.select %and3A_242, %sub3A_244, %div3A_223 : i32
      %jit3A_246 = arith.constant 128 : i32
      %eq3A_247 = arith.constant 0 : i32
      %eq3A_248 = arith.cmpi eq, %jit3A_246, %eq3A_247 : i32
      %jit3A_249 = arith.constant 1 : i32
      %select_n3A_250 = arith.select %eq3A_248, %jit3A_249, %jit3A_246 : i32
      %rem3A_251 = arith.remsi %add3A_54, %select_n3A_250 : i32
      %ne3A_252 = arith.constant 0 : i32
      %ne3A_253 = arith.cmpi ne, %rem3A_251, %ne3A_252 : i32
      %lt3A_254 = arith.constant 0 : i32
      %lt3A_255 = arith.cmpi slt, %rem3A_251, %lt3A_254 : i32
      %lt3A_256 = arith.constant 0 : i32
      %lt3A_257 = arith.cmpi slt, %select_n3A_250, %lt3A_256 : i32
      %ne3A_258 = arith.xori %lt3A_255, %lt3A_257 : i1
      %and3A_259 = arith.andi %ne3A_258, %ne3A_253 : i1
      %add3A_260 = arith.addi %rem3A_251, %select_n3A_250 : i32
      %select_n3A_261 = arith.select %and3A_259, %add3A_260, %rem3A_251 : i32
      %mul3A_262 = arith.constant 4 : i32
      %mul3A_263 = arith.muli %select_n3A_245, %mul3A_262 : i32
      %add3A_264 = arith.constant 0 : i32
      %add3A_265 = arith.addi %mul3A_263, %add3A_264 : i32
      %mul3A_266 = arith.constant 128 : i32
      %mul3A_267 = arith.muli %add3A_265, %mul3A_266 : i32
      %add3A_268 = arith.addi %mul3A_267, %select_n3A_261 : i32
      %mul3A_269 = arith.constant 1024 : i32
      %mul3A_270 = arith.muli %add3A_268, %mul3A_269 : i32
      %dma_start3A_271 = arith.constant 1 : i32
      %dma_start3A_272 = arith.constant 0 : i32
      %dma_start3A_273 = tpu.memref_slice %arg7[%dma_start3A_271, %dma_start3A_272] : memref<2x4096xf32, #tpu.memory_space<vmem>> -> memref<1x4096xf32, #tpu.memory_space<vmem>>
      %dma_start3A_274 = tpu.memref_squeeze %dma_start3A_273 : memref<1x4096xf32, #tpu.memory_space<vmem>> -> memref<4096xf32, #tpu.memory_space<vmem>>
      %dma_start3A_275 = arith.constant 0 : i32
      %dma_start3A_276 = tpu.memref_slice %dma_start3A_274[%dma_start3A_275] : memref<4096xf32, #tpu.memory_space<vmem>> -> memref<1024xf32, #tpu.memory_space<vmem>>
      %dma_start3A_277 = tpu.memref_slice %arg4[%mul3A_270] : memref<26214400xf32, #tpu.memory_space<hbm>> -> memref<1024xf32, #tpu.memory_space<hbm>>
      %dma_start3A_278 = tpu.memref_slice %arg4[%mul3A_270] : memref<26214400xf32, #tpu.memory_space<hbm>> -> memref<1024xf32, #tpu.memory_space<hbm>>
      %dma_start3A_279 = arith.constant 0 : i32
      %dma_start3A_280 = tpu.memref_slice %arg7[%dma_start3A_271, %dma_start3A_279] : memref<2x4096xf32, #tpu.memory_space<vmem>> -> memref<1x4096xf32, #tpu.memory_space<vmem>>
      %dma_start3A_281 = tpu.memref_squeeze %dma_start3A_280 : memref<1x4096xf32, #tpu.memory_space<vmem>> -> memref<4096xf32, #tpu.memory_space<vmem>>
      %dma_start3A_282 = arith.constant 0 : i32
      %dma_start3A_283 = tpu.memref_slice %dma_start3A_281[%dma_start3A_282] : memref<4096xf32, #tpu.memory_space<vmem>> -> memref<1024xf32, #tpu.memory_space<vmem>>
      tpu.enqueue_dma source(%dma_start3A_283 : memref<1024xf32, #tpu.memory_space<vmem>>) target(%dma_start3A_278 : memref<1024xf32, #tpu.memory_space<hbm>>) target_semaphore(%arg11 : memref<!tpu.dma_semaphore, #tpu.memory_space<semaphore_mem>>)
      %mul3A_284 = arith.constant 4 : i32
      %mul3A_285 = arith.muli %select_n3A_245, %mul3A_284 : i32
      %add3A_286 = arith.constant 1 : i32
      %add3A_287 = arith.addi %mul3A_285, %add3A_286 : i32
      %mul3A_288 = arith.constant 128 : i32
      %mul3A_289 = arith.muli %add3A_287, %mul3A_288 : i32
      %add3A_290 = arith.addi %mul3A_289, %select_n3A_261 : i32
      %mul3A_291 = arith.constant 1024 : i32
      %mul3A_292 = arith.muli %add3A_290, %mul3A_291 : i32
      %dma_start3A_293 = arith.constant 1 : i32
      %dma_start3A_294 = arith.constant 0 : i32
      %dma_start3A_295 = tpu.memref_slice %arg7[%dma_start3A_293, %dma_start3A_294] : memref<2x4096xf32, #tpu.memory_space<vmem>> -> memref<1x4096xf32, #tpu.memory_space<vmem>>
      %dma_start3A_296 = tpu.memref_squeeze %dma_start3A_295 : memref<1x4096xf32, #tpu.memory_space<vmem>> -> memref<4096xf32, #tpu.memory_space<vmem>>
      %dma_start3A_297 = arith.constant 1024 : i32
      %dma_start3A_298 = tpu.memref_slice %dma_start3A_296[%dma_start3A_297] : memref<4096xf32, #tpu.memory_space<vmem>> -> memref<1024xf32, #tpu.memory_space<vmem>>
      %dma_start3A_299 = tpu.memref_slice %arg4[%mul3A_292] : memref<26214400xf32, #tpu.memory_space<hbm>> -> memref<1024xf32, #tpu.memory_space<hbm>>
      %dma_start3A_300 = tpu.memref_slice %arg4[%mul3A_292] : memref<26214400xf32, #tpu.memory_space<hbm>> -> memref<1024xf32, #tpu.memory_space<hbm>>
      %dma_start3A_301 = arith.constant 0 : i32
      %dma_start3A_302 = tpu.memref_slice %arg7[%dma_start3A_293, %dma_start3A_301] : memref<2x4096xf32, #tpu.memory_space<vmem>> -> memref<1x4096xf32, #tpu.memory_space<vmem>>
      %dma_start3A_303 = tpu.memref_squeeze %dma_start3A_302 : memref<1x4096xf32, #tpu.memory_space<vmem>> -> memref<4096xf32, #tpu.memory_space<vmem>>
      %dma_start3A_304 = arith.constant 1024 : i32
      %dma_start3A_305 = tpu.memref_slice %dma_start3A_303[%dma_start3A_304] : memref<4096xf32, #tpu.memory_space<vmem>> -> memref<1024xf32, #tpu.memory_space<vmem>>
      tpu.enqueue_dma source(%dma_start3A_305 : memref<1024xf32, #tpu.memory_space<vmem>>) target(%dma_start3A_300 : memref<1024xf32, #tpu.memory_space<hbm>>) target_semaphore(%arg11 : memref<!tpu.dma_semaphore, #tpu.memory_space<semaphore_mem>>)
      %mul3A_306 = arith.constant 4 : i32
      %mul3A_307 = arith.muli %select_n3A_245, %mul3A_306 : i32
      %add3A_308 = arith.constant 2 : i32
      %add3A_309 = arith.addi %mul3A_307, %add3A_308 : i32
      %mul3A_310 = arith.constant 128 : i32
      %mul3A_311 = arith.muli %add3A_309, %mul3A_310 : i32
      %add3A_312 = arith.addi %mul3A_311, %select_n3A_261 : i32
      %mul3A_313 = arith.constant 1024 : i32
      %mul3A_314 = arith.muli %add3A_312, %mul3A_313 : i32
      %dma_start3A_315 = arith.constant 1 : i32
      %dma_start3A_316 = arith.constant 0 : i32
      %dma_start3A_317 = tpu.memref_slice %arg7[%dma_start3A_315, %dma_start3A_316] : memref<2x4096xf32, #tpu.memory_space<vmem>> -> memref<1x4096xf32, #tpu.memory_space<vmem>>
      %dma_start3A_318 = tpu.memref_squeeze %dma_start3A_317 : memref<1x4096xf32, #tpu.memory_space<vmem>> -> memref<4096xf32, #tpu.memory_space<vmem>>
      %dma_start3A_319 = arith.constant 2048 : i32
      %dma_start3A_320 = tpu.memref_slice %dma_start3A_318[%dma_start3A_319] : memref<4096xf32, #tpu.memory_space<vmem>> -> memref<1024xf32, #tpu.memory_space<vmem>>
      %dma_start3A_321 = tpu.memref_slice %arg4[%mul3A_314] : memref<26214400xf32, #tpu.memory_space<hbm>> -> memref<1024xf32, #tpu.memory_space<hbm>>
      %dma_start3A_322 = tpu.memref_slice %arg4[%mul3A_314] : memref<26214400xf32, #tpu.memory_space<hbm>> -> memref<1024xf32, #tpu.memory_space<hbm>>
      %dma_start3A_323 = arith.constant 0 : i32
      %dma_start3A_324 = tpu.memref_slice %arg7[%dma_start3A_315, %dma_start3A_323] : memref<2x4096xf32, #tpu.memory_space<vmem>> -> memref<1x4096xf32, #tpu.memory_space<vmem>>
      %dma_start3A_325 = tpu.memref_squeeze %dma_start3A_324 : memref<1x4096xf32, #tpu.memory_space<vmem>> -> memref<4096xf32, #tpu.memory_space<vmem>>
      %dma_start3A_326 = arith.constant 2048 : i32
      %dma_start3A_327 = tpu.memref_slice %dma_start3A_325[%dma_start3A_326] : memref<4096xf32, #tpu.memory_space<vmem>> -> memref<1024xf32, #tpu.memory_space<vmem>>
      tpu.enqueue_dma source(%dma_start3A_327 : memref<1024xf32, #tpu.memory_space<vmem>>) target(%dma_start3A_322 : memref<1024xf32, #tpu.memory_space<hbm>>) target_semaphore(%arg11 : memref<!tpu.dma_semaphore, #tpu.memory_space<semaphore_mem>>)
      %mul3A_328 = arith.constant 4 : i32
      %mul3A_329 = arith.muli %select_n3A_245, %mul3A_328 : i32
      %add3A_330 = arith.constant 3 : i32
      %add3A_331 = arith.addi %mul3A_329, %add3A_330 : i32
      %mul3A_332 = arith.constant 128 : i32
      %mul3A_333 = arith.muli %add3A_331, %mul3A_332 : i32
      %add3A_334 = arith.addi %mul3A_333, %select_n3A_261 : i32
      %mul3A_335 = arith.constant 1024 : i32
      %mul3A_336 = arith.muli %add3A_334, %mul3A_335 : i32
      %dma_start3A_337 = arith.constant 1 : i32
      %dma_start3A_338 = arith.constant 0 : i32
      %dma_start3A_339 = tpu.memref_slice %arg7[%dma_start3A_337, %dma_start3A_338] : memref<2x4096xf32, #tpu.memory_space<vmem>> -> memref<1x4096xf32, #tpu.memory_space<vmem>>
      %dma_start3A_340 = tpu.memref_squeeze %dma_start3A_339 : memref<1x4096xf32, #tpu.memory_space<vmem>> -> memref<4096xf32, #tpu.memory_space<vmem>>
      %dma_start3A_341 = arith.constant 3072 : i32
      %dma_start3A_342 = tpu.memref_slice %dma_start3A_340[%dma_start3A_341] : memref<4096xf32, #tpu.memory_space<vmem>> -> memref<1024xf32, #tpu.memory_space<vmem>>
      %dma_start3A_343 = tpu.memref_slice %arg4[%mul3A_336] : memref<26214400xf32, #tpu.memory_space<hbm>> -> memref<1024xf32, #tpu.memory_space<hbm>>
      %dma_start3A_344 = tpu.memref_slice %arg4[%mul3A_336] : memref<26214400xf32, #tpu.memory_space<hbm>> -> memref<1024xf32, #tpu.memory_space<hbm>>
      %dma_start3A_345 = arith.constant 0 : i32
      %dma_start3A_346 = tpu.memref_slice %arg7[%dma_start3A_337, %dma_start3A_345] : memref<2x4096xf32, #tpu.memory_space<vmem>> -> memref<1x4096xf32, #tpu.memory_space<vmem>>
      %dma_start3A_347 = tpu.memref_squeeze %dma_start3A_346 : memref<1x4096xf32, #tpu.memory_space<vmem>> -> memref<4096xf32, #tpu.memory_space<vmem>>
      %dma_start3A_348 = arith.constant 3072 : i32
      %dma_start3A_349 = tpu.memref_slice %dma_start3A_347[%dma_start3A_348] : memref<4096xf32, #tpu.memory_space<vmem>> -> memref<1024xf32, #tpu.memory_space<vmem>>
      tpu.enqueue_dma source(%dma_start3A_349 : memref<1024xf32, #tpu.memory_space<vmem>>) target(%dma_start3A_344 : memref<1024xf32, #tpu.memory_space<hbm>>) target_semaphore(%arg11 : memref<!tpu.dma_semaphore, #tpu.memory_space<semaphore_mem>>)
    }
    %scan3A_7 = arith.constant 100 : i32
    %dma_wait3A = arith.constant 0 : i32
    %dma_wait3A_8 = arith.constant 0 : i32
    %dma_wait3A_9 = tpu.memref_slice %arg7[%dma_wait3A, %dma_wait3A_8] : memref<2x4096xf32, #tpu.memory_space<vmem>> -> memref<1x4096xf32, #tpu.memory_space<vmem>>
    %dma_wait3A_10 = tpu.memref_squeeze %dma_wait3A_9 : memref<1x4096xf32, #tpu.memory_space<vmem>> -> memref<4096xf32, #tpu.memory_space<vmem>>
    %dma_wait3A_11 = arith.constant 0 : i32
    %dma_wait3A_12 = tpu.memref_slice %arg4[%dma_wait3A_11] : memref<26214400xf32, #tpu.memory_space<hbm>> -> memref<4096xf32, #tpu.memory_space<hbm>>
    %dma_wait3A_13 = arith.constant 0 : i32
    %dma_wait3A_14 = tpu.memref_slice %arg7[%dma_wait3A, %dma_wait3A_13] : memref<2x4096xf32, #tpu.memory_space<vmem>> -> memref<1x4096xf32, #tpu.memory_space<vmem>>
    %dma_wait3A_15 = tpu.memref_squeeze %dma_wait3A_14 : memref<1x4096xf32, #tpu.memory_space<vmem>> -> memref<4096xf32, #tpu.memory_space<vmem>>
    %dma_wait3A_16 = arith.constant 0 : i32
    %dma_wait3A_17 = tpu.memref_slice %arg4[%dma_wait3A_16] : memref<26214400xf32, #tpu.memory_space<hbm>> -> memref<4096xf32, #tpu.memory_space<hbm>>
    tpu.wait_dma2 semaphore(%arg10 : memref<!tpu.dma_semaphore, #tpu.memory_space<semaphore_mem>>) src(%dma_wait3A_17 : memref<4096xf32, #tpu.memory_space<hbm>>) dst(%dma_wait3A_15 : memref<4096xf32, #tpu.memory_space<vmem>>)
    %dma_wait3A_18 = arith.constant 1 : i32
    %dma_wait3A_19 = arith.constant 0 : i32
    %dma_wait3A_20 = tpu.memref_slice %arg7[%dma_wait3A_18, %dma_wait3A_19] : memref<2x4096xf32, #tpu.memory_space<vmem>> -> memref<1x4096xf32, #tpu.memory_space<vmem>>
    %dma_wait3A_21 = tpu.memref_squeeze %dma_wait3A_20 : memref<1x4096xf32, #tpu.memory_space<vmem>> -> memref<4096xf32, #tpu.memory_space<vmem>>
    %dma_wait3A_22 = arith.constant 0 : i32
    %dma_wait3A_23 = tpu.memref_slice %arg4[%dma_wait3A_22] : memref<26214400xf32, #tpu.memory_space<hbm>> -> memref<4096xf32, #tpu.memory_space<hbm>>
    %dma_wait3A_24 = arith.constant 0 : i32
    %dma_wait3A_25 = tpu.memref_slice %arg7[%dma_wait3A_18, %dma_wait3A_24] : memref<2x4096xf32, #tpu.memory_space<vmem>> -> memref<1x4096xf32, #tpu.memory_space<vmem>>
    %dma_wait3A_26 = tpu.memref_squeeze %dma_wait3A_25 : memref<1x4096xf32, #tpu.memory_space<vmem>> -> memref<4096xf32, #tpu.memory_space<vmem>>
    %dma_wait3A_27 = arith.constant 0 : i32
    %dma_wait3A_28 = tpu.memref_slice %arg4[%dma_wait3A_27] : memref<26214400xf32, #tpu.memory_space<hbm>> -> memref<4096xf32, #tpu.memory_space<hbm>>
    tpu.wait_dma2 semaphore(%arg11 : memref<!tpu.dma_semaphore, #tpu.memory_space<semaphore_mem>>) src(%dma_wait3A_28 : memref<4096xf32, #tpu.memory_space<hbm>>) dst(%dma_wait3A_26 : memref<4096xf32, #tpu.memory_space<vmem>>)
    return
  }
}

</mosaic_0001>

<sc_bundles>
// kernel: kernel.3.cloned.1.call-start
scs
__scs_entry_jumppad:
0x0: {  	(pc) =	sbr.rel $0x88, $3  }
0x1: {  	(tag) =	ssettag $0x0;
	lr =	simm.s32 $0x1  }
0x2: {  	[smem:$0x3F9F] =	sst lr;
	_ =	strace $0xD0000000  }
0x3: {  	_ = 	snop  }
0x4: {  	_ = 	snop  }
0x5: {  	_ = 	snop  }
0x6: {  	_ = 	snop  }
0x7: {  	_ = 	snop  }
__scs_overlays_trampoline_lowered:
0x8: {  	[smem:$0x3FAE] =	sst s0  }
0x9: {  	[smem:$0x3FAF] =	sst s1  }
0xa: {  	[smem:$0x3FB0] =	sst s2  }
0xb: {  	[smem:$0x3FB1] =	sst s3  }
0xc: {  	[smem:$0x3FB2] =	sst s4  }
0xd: {  	[smem:$0x3FB3] =	sst s5  }
0xe: {  	[smem:$0x3FB4] =	sst s6  }
0xf: {  	[smem:$0x3FB5] =	sst s7  }
0x10: {  	[smem:$0x3FB6] =	sst s8  }
0x11: {  	[smem:$0x3FB7] =	sst s9;
	s0 =	simm.s32 @!p0 $0x0  }
0x12: {  	s1 =	sld [smem:$0x3F9D];
	s0 =	simm.s32 @p0 $0x1  }
0x13: {  	[smem:$0x3FB8] =	sst s0;
	s0 =	simm.s32 @!p1 $0x0  }
0x14: {  	s2 =	sld [smem:$0x3F9C];
	s0 =	simm.s32 @p1 $0x1  }
0x15: {  	[smem:$0x3FB9] =	sst s0;
	s0 =	simm.s32 @!p2 $0x0  }
0x16: {  	s3 =	sld [smem:$0x3FDB];
	s0 =	simm.s32 @p2 $0x1  }
0x17: {  	s4 =	simm.s32 $0x1BF5;
	[smem:$0x3FBB] =	sst s0  }
0x18: {  	s0 =	sld [smem:$0x3F9E];
	_ =	swait.ge [sflag:s4], $0x0  }
0x19: {  	s7 =	sld [smem:$0x3F9F]  }
0x1a: {  	s8 =	sadd.s32 $0xFFFFE003, lr  }
0x1b: {  	s9 =	sadd.s32 $0xFFFFFEF7, lr;
	s5 =	simm.s32 $0xFFFFFFFF;
	p2 =	slt.u32 s8, $0xFFFFF086  }
0x1c: {  	p1 =	slt.u32 s9, $0xF7A;
	s5 =	simm.s32 @!p2 $0x0  }
0x1d: {  	s5 =	simm.s32 @p1 $0x1;
	p0 =	seq.s32 s7, s2  }
0x1e: {  	s7 =	smul.u32 @!p0 $0xF7A, s2;
	p2 =	seq.s32 @!p0 s5, $0x0  }
0x1f: {  	s9 =	smul.u32 $0xF7A, s1;
	s8 =	simm.s32 @!p0 $0x1BF5;
	p2 =	por !p2, p0  }
0x20: {  	[sflag:s8] =	ssyncset.s32 @!p0 $0xFFFFF086;
	s6 =	sadd.s32 @!p0 s3, s7;
	s7 =	simm.s32 @!p0 $0x108  }
0x21: {  	s3 =	sadd.s32 s3, s9;
	s6 =	sadd.s32 @!p0 $0x88, s6;
	s7 =	simm.s32 @p2 $0x1082  }
0x22: {  	[simem:s7], [sflag:s8] =	dma.local @!p0 [hbm:s6], $0xF7A  }
0x23: {  	s9 =	sor.u32 $0xD0000000, s2;
	s6 =	simm.s32 $0x108;
	_ =	swait.ge @!p0 [sflag:s8], $0x0  }
0x24: {  	s3 =	sadd.s32 $0x88, s3;
	s6 =	simm.s32 @!p1 $0x1082;
	[sflag:s4] =	ssyncset.s32 $0xFFFFF086  }
0x25: {  	[simem:s6], [sflag:s4] =	dma.local [hbm:s3], $0xF7A  }
0x26: {  	[smem:$0x3F9F] =	sst s1;
	(tag) =	ssettag s2;
	_ =	strace s9  }
0x27: {  	s1 =	sld [smem:$0x3FAF]  }
0x28: {  	s2 =	sld [smem:$0x3FB0]  }
0x29: {  	s4 =	sld [smem:$0x3FB2]  }
0x2a: {  	p0 =	seq.s32 s5, $0x0;
	s5 =	sld [smem:$0x3FB3]  }
0x2b: {  	s6 =	sld [smem:$0x3FB4]  }
0x2c: {  	s7 =	sld [smem:$0x3FB5]  }
0x2d: {  	s3 =	simm.s32 $0x108;
	s8 =	sld [smem:$0x3FB6]  }
0x2e: {  	s3 =	simm.s32 @!p0 $0x1082;
	s9 =	sld [smem:$0x3FB7]  }
0x2f: {  	lr =	sadd.s32 s0, s3;
	s0 =	sld [smem:$0x3FAE]  }
0x30: {  	s3 =	sld [smem:$0x3FB1]  }
0x31: {  	[smem:$0x3FBA] =	sst s10  }
0x32: {  	s10 =	sld [smem:$0x3FB8];
	_ =	sdelay $0x3  }
0x33: {  	p0 =	seq.s32 s10, $0x1;
	s10 =	sld [smem:$0x3FBA];
	_ =	sdelay $0x3  }
0x34: {  	[smem:$0x3FBA] =	sst s10  }
0x35: {  	s10 =	sld [smem:$0x3FB9];
	_ =	sdelay $0x3  }
0x36: {  	p1 =	seq.s32 s10, $0x1;
	s10 =	sld [smem:$0x3FBA];
	_ =	sdelay $0x3  }
0x37: {  	[smem:$0x3FBA] =	sst s10  }
0x38: {  	s10 =	sld [smem:$0x3FBB]  }
0x39: {  	_ = 	snop;
	(pc) =	sbr.ind lr, $3  }
0x3a: {  	_ = 	snop  }
0x3b: {  	_ = 	snop  }
0x3c: {  	p2 =	seq.s32 s10, $0x1;
	s10 =	sld [smem:$0x3FBA]  }
0x3d: {  	_ =	shalt  }
0x3e: {  	_ =	shalt  }
0x3f: {  	_ =	shalt  }
0x40: {  	_ =	shalt  }
0x41: {  	_ =	shalt  }
0x42: {  	_ =	shalt  }
0x43: {  	_ =	shalt  }
0x44: {  	_ =	shalt  }
0x45: {  	_ =	shalt  }
0x46: {  	_ =	shalt  }
0x47: {  	_ =	shalt  }
0x48: {  	_ =	shalt  }
0x49: {  	_ =	shalt  }
0x4a: {  	_ =	shalt  }
0x4b: {  	_ =	shalt  }
0x4c: {  	_ =	shalt  }
0x4d: {  	_ =	shalt  }
0x4e: {  	_ =	shalt  }
0x4f: {  	_ =	shalt  }
0x50: {  	_ =	shalt  }
0x51: {  	_ =	shalt  }
0x52: {  	_ =	shalt  }
0x53: {  	_ =	shalt  }
0x54: {  	_ =	shalt  }
0x55: {  	_ =	shalt  }
0x56: {  	_ =	shalt  }
0x57: {  	_ =	shalt  }
0x58: {  	_ =	shalt  }
0x59: {  	_ =	shalt  }
0x5a: {  	_ =	shalt  }
0x5b: {  	_ =	shalt  }
0x5c: {  	_ =	shalt  }
0x5d: {  	_ =	shalt  }
0x5e: {  	_ =	shalt  }
0x5f: {  	_ =	shalt  }
0x60: {  	_ =	shalt  }
0x61: {  	_ =	shalt  }
0x62: {  	_ =	shalt  }
0x63: {  	_ =	shalt  }
0x64: {  	_ =	shalt  }
0x65: {  	_ =	shalt  }
0x66: {  	_ =	shalt  }
0x67: {  	_ =	shalt  }
0x68: {  	_ =	shalt  }
0x69: {  	_ =	shalt  }
0x6a: {  	_ =	shalt  }
0x6b: {  	_ =	shalt  }
0x6c: {  	_ =	shalt  }
0x6d: {  	_ =	shalt  }
0x6e: {  	_ =	shalt  }
0x6f: {  	_ =	shalt  }
0x70: {  	_ =	shalt  }
0x71: {  	_ =	shalt  }
0x72: {  	_ =	shalt  }
0x73: {  	_ =	shalt  }
0x74: {  	_ =	shalt  }
0x75: {  	_ =	shalt  }
0x76: {  	_ =	shalt  }
0x77: {  	_ =	shalt  }
0x78: {  	_ =	shalt  }
0x79: {  	_ =	shalt  }
0x7a: {  	_ =	shalt  }
0x7b: {  	_ =	shalt  }
0x7c: {  	_ =	shalt  }
0x7d: {  	_ =	shalt  }
0x7e: {  	_ =	shalt  }
0x7f: {  	_ =	shalt  }
0x80: {  	_ =	shalt  }
0x81: {  	_ =	shalt  }
0x82: {  	_ =	shalt  }
0x83: {  	_ =	shalt  }
0x84: {  	_ =	shalt  }
0x85: {  	_ =	shalt  }
0x86: {  	_ =	shalt  }
0x87: {  	_ =	shalt  }
.Lfunc_end0:
.L_simem_size_0:
called_computation_lowered:
.L_overlay_start_0:
0x88: {  	s2 =	sld [smem:$0x3FD9]  }
0x89: {  	s3 =	sld [smem:$0x3FFE];
	_ =	sdelay $0x1  }
0x8a: {  	s1 =	srdreg.scid  }
0x8b: {  	s0 =	sand.u32 $0x1, s1  }
0x8c: {  	s17 =	sshll.u32 s0, $0xA;
	s2 =	sadd.s32 s3, s2  }
0x8d: {  	s2 =	sadd.s32 s2, s17  }
0x8e: {  	[smem:$0x3FC6] =	sst s2  }
0x8f: {  	_ = 	snop  }
0x90: {  	s2 =	sld [smem:$0x3FD0];
	(tm) =	ssettm $0x1  }
0x91: {  	s18 =	sld [smem:$0x3FFB];
	_ =	sdelay $0x3  }
0x92: {  	_ =	strace s18  }
0x93: {  	s3 =	sld [smem:$0x3FFC];
	_ =	sdelay $0x3  }
0x94: {  	_ =	strace s3  }
0x95: {  	s3 =	sld [smem:$0x3FFD];
	_ =	sdelay $0x3  }
0x96: {  	_ =	strace s3  }
0x97: {  	_ =	strace $0x8FFFFFFF  }
0x98: {  	s19 =	sld [smem:$0x3FDB];
	_ =	sdelay $0x1  }
0x99: {  	s4 =	simm.s32 $_scs_section_size  }
0x9a: {  	s5 =	simm.s32 $_size__tile_overlayer_lowered;
	s6 =	simm.s32 $_tile_overlayer_lowered  }
0x9b: {  	s22 =	simm.s32 $0x1BFF;
	s21 =	sshll.u32 s6, $0x1;
	s3 =	sadd.s32 s4, s19  }
0x9c: {  	s7 =	simm.s32 $0x0;
	s20 =	sshll.u32 s5, $0x1;
	s5 =	sadd.s32 s21, s3  }
0x9d: {  	[timem:s7], [sflag:s22] =	dma.local [hbm:s5], s20  }
0x9e: {  	_ =	swait.ge [sflag:s22], s20  }
0x9f: {  	s4 =	ssub.s32 $0x0, s20;
	[sflag:s22] =	ssyncset.done $0x0  }
0xa0: {  	[sflag:s22] =	ssyncadd.s32 s4;
	_ =	sdelay $0x1  }
0xa1: {  	s23 =	simm.s32 $0x1B8B  }
0xa2: {  	_ =	swait.ge [sflag:s23], $0x1  }
0xa3: {  	[sflag:s23] =	ssyncset.done $0x0  }
0xa4: {  	s25 =	simm.s32 $0x1B8E;
	s24 =	sld [smem:$0x3FFE];
	[sflag:s23] =	ssyncadd.s32 $0xFFFFFFFF  }
0xa5: {  	s26 =	simm.s32 $execute0_lowered;
	[smem:$0x3FD2] =	sst s25  }
0xa6: {  	s5 =	sshll.u32 s26, $0x1;
	_ =	strace $0x80000046;
	[dreg:$0x1] =	wrdreg $0xFFFFFFFF  }
0xa7: {  	s28 =	simm.s32 $_size_execute0_lowered;
	s3 =	sadd.s32 s3, s5;
	[dreg:$0x0] =	wrdreg $0x0  }
0xa8: {  	s5 =	sshll.u32 s28, $0x1;
	[dreg:$0x2] =	wrdreg s3  }
0xa9: {  	[dreg:$0x3] =	wrdreg s5  }
0xaa: {  	[dreg:$0x4] =	wrdreg $0xC0  }
0xab: {  	_ =	task [dreg:s7], $0x5FFFF  }
0xac: {  	[dreg:$0x1] =	wrdreg $0xFFFFFFFF  }
0xad: {  	[dreg:$0x0] =	wrdreg $0x60  }
0xae: {  	[dreg:$0x2] =	wrdreg s24  }
0xaf: {  	[dreg:$0x3] =	wrdreg s2  }
0xb0: {  	[dreg:$0x4] =	wrdreg $0x9  }
0xb1: {  	_ =	task.clear_ibuf [dreg:s7], $0x5FFFF;
	_ =	strace $0x90000046  }
0xb2: {  	s29 =	simm.s32 $0x9;
	_ =	strace $0x80000048  }
0xb3: {  	_ =	swait.ge [sflag:s29], $0x1  }
0xb4: {  	[sflag:s29] =	ssyncadd.s32 $0xFFFFFFFF  }
0xb5: {  	_ =	strace $0x90000048  }
0xb6: {  	_ =	sfence  }
0xb7: {  	s30 =	sld [smem:$0x0];
	_ =	sdelay $0x2  }
0xb8: {  	s31 =	sshll.u32 s1, $0xD;
	s1 =	sshrl.u32 s1, $0x2  }
0xb9: {  	s3 =	sand.u32 $0x4000, s31;
	s1 =	sadd.s32 s1, s30  }
0xba: {  	s0 =	sor.u32 s3, s0;
	s1 =	sshll.u32 s1, $0x11  }
0xbb: {  	s0 =	sor.u32 s1, s0  }
0xbc: {  	s0 =	sadd.s32 $0x8F2B, s0  }
0xbd: {  	[sflag:s0] =	ssyncadd.remote.s32 $0x1  }
0xbe: {  	_ =	sfence.sel $0xFFFF  }
0xbf: {  	[dreg:$0x0] =	wrdreg $0xFFFFFFFF;
	(pc) =	sbr.abs _section_cstart, $3  }
0xc0: {  	[dreg:$0x1] =	wrdreg $0xFFFFFFFF  }
0xc1: {  	_ =	task.clear_ibuf [dreg:s7], $0x2FFFF;
	_ =	strace $0x9FFFFFFF  }
0xc2: {  	(tm) =	ssettm $0x7FFFFFFF  }
0xc3: {  	_ =	shalt  }
tec
execute0_lowered:
.L_overlay_start_1:
0x0: {  	(tag) =	ssettag $0x1  }
0x1: {  	v0 =	vlaneseq.u32  }
0x2: {  	v2 =	vmul.u32 $0x20, v0  }
0x3: {  	vm0 =	vcmask $0x300;
	v0 =	vimm.s32 $0x0  }
0x4: {  	v1 =	vsel vm0, $0x3, v0;
	v0 =	vor.u32 $0x1, v2  }
0x5: {  	[tilespmem:$0x1FDE0] =	vst v0;
	v0 =	vor.u32 $0x2, v2  }
0x6: {  	s0 =	rddreg [dreg:$0x0];
	s2 =	simm.s32 $0x0;
	[tilespmem:$0x1FDF0] =	vst v0;
	v0 =	vor.u32 $0x3, v2  }
0x7: {  	[smem:$0x7FF] =	sst s2;
	v21 =	vor.u32 $0x204, v2;
	[tilespmem:$0x1FE00] =	vst v0  }
0x8: {  	s1 =	rddreg [dreg:$0x1];
	v20 =	vor.u32 $0x203, v2;
	_ =	strace $0x80000047;
	[tilespmem:$0x1FE10] =	vst v21  }
0x9: {  	v54 =	vor.u32 $0x202, v2;
	[tilespmem:$0x1FE20] =	vst v20  }
0xa: {  	v15 =	vor.u32 $0x201, v2;
	[tilespmem:$0x1FE30] =	vst v54  }
0xb: {  	v59 =	vor.u32 $0xA04, v2;
	[tilespmem:$0x1FE40] =	vst v15  }
0xc: {  	v62 =	vor.u32 $0xA03, v2;
	[tilespmem:$0x1FE50] =	vst v59  }
0xd: {  	v60 =	vor.u32 $0x803, v2;
	[tilespmem:$0x1FE60] =	vst v62  }
0xe: {  	v22 =	vor.u32 $0x604, v2;
	[tilespmem:$0x1FE70] =	vst v60  }
0xf: {  	v18 =	vor.u32 $0x804, v2;
	[tilespmem:$0x1FE80] =	vst v22  }
0x10: {  	v0 =	vor.u32 $0x603, v2;
	[tilespmem:$0x1FE90] =	vst v18  }
0x11: {  	v31 =	vor.u32 $0x602, v2;
	[tilespmem:$0x1FEA0] =	vst v0  }
0x12: {  	v14 =	vor.u32 $0x802, v2;
	[tilespmem:$0x1FEB0] =	vst v31  }
0x13: {  	v34 =	vor.u32 $0xA02, v2;
	[tilespmem:$0x1FEC0] =	vst v14  }
0x14: {  	v46 =	vor.u32 $0x404, v2;
	[tilespmem:$0x1FED0] =	vst v34  }
0x15: {  	v12 =	vor.u32 $0x801, v2;
	[tilespmem:$0x1FEE0] =	vst v46  }
0x16: {  	v11 =	vor.u32 $0xC01, v2;
	[tilespmem:$0x1FEF0] =	vst v12  }
0x17: {  	v10 =	vor.u32 $0x601, v2;
	[tilespmem:$0x1FF00] =	vst v11  }
0x18: {  	v13 =	vor.u32 $0xA01, v2;
	[tilespmem:$0x1FF10] =	vst v10  }
0x19: {  	v27 =	vor.u32 $0x200, v2;
	v24 =	vor.u32 $0x403, v2;
	[tilespmem:$0x1FF20] =	vst v13  }
0x1a: {  	v28 =	vor.u32 $0x400, v2;
	v29 =	vor.u32 $0x600, v2;
	v16 =	vor.u32 $0x402, v2;
	[tilespmem:$0x1FF30] =	vst v24  }
0x1b: {  	v30 =	vor.u32 $0x800, v2;
	v5 =	vor.u32 $0xA00, v2;
	v9 =	vor.u32 $0x401, v2;
	[tilespmem:$0x1FF40] =	vst v16  }
0x1c: {  	s3 =	srdreg.scid;
	s4 =	stileid.u32;
	v3 =	vor.u32 $0xC00, v2;
	v8 =	vor.u32 $0xE00, v2;
	v26 =	vor.u32 $0xE01, v2;
	[tilespmem:$0x1FF50] =	vst v9  }
0x1d: {  	s11 =	simm.s32 $0x5;
	s12 =	simm.s32 $0x80;
	s13 =	simm.s32 $0x100;
	v4 =	vor.u32 $0xC02, v2;
	v19 =	vor.u32 $0xE02, v2;
	v17 =	vor.u32 $0xC04, v2;
	[tilespmem:$0x1FF60] =	vst v5  }
0x1e: {  	s14 =	simm.s32 $0x1100;
	s15 =	simm.s32 $0x1;
	s16 =	simm.s32 $0x2100;
	v23 =	vor.u32 $0xC03, v2;
	v7 =	vor.u32 $0xE03, v2;
	v48 =	vor.u32 $0x4, v2;
	[tilespmem:$0x1FF70] =	vst v17  }
0x1f: {  	s17 =	simm.s32 $0x2500;
	s18 =	simm.s32 $0x2900;
	s19 =	simm.s32 $0x2D00;
	v32 =	vor.u32 $0xE04, v2;
	v33 =	vor.u32 $0x5, v2;
	v35 =	vor.u32 $0x205, v2;
	[tilespmem:$0x1FF80] =	vst v23  }
0x20: {  	s20 =	simm.s32 $0x2;
	s21 =	simm.s32 $0x3100;
	s22 =	simm.s32 $0x3500;
	v56 =	vor.u32 $0x405, v2;
	v58 =	vor.u32 $0x605, v2;
	v37 =	vor.u32 $0x805, v2;
	[tilespmem:$0x1FF90] =	vst v48  }
0x21: {  	s23 =	simm.s32 $0x3900;
	s24 =	simm.s32 $0x3D00;
	s3 =	sand.u32 $0x1, s3;
	v57 =	vor.u32 $0xA05, v2;
	v63 =	vor.u32 $0xC05, v2;
	v53 =	vor.u32 $0xE05, v2;
	[tilespmem:$0x1FFA0] =	vst v4  }
0x22: {  	s10 =	simm.s32 $0x0;
	s28 =	simm.s32 $0x5;
	s6 =	ssub.s32 $0x2, s3;
	v40 =	vor.u32 $0x6, v2;
	v49 =	vor.u32 $0x206, v2;
	v50 =	vor.u32 $0x406, v2;
	[tilespmem:$0x1FFB0] =	vst v3  }
0x23: {  	s5 =	sshll.u32 s4, $0x1;
	s4 =	sadd.s32 $0x600, s0;
	s7 =	sshrl.u32 s6, $0x1;
	v51 =	vor.u32 $0x606, v2;
	v52 =	vor.u32 $0x806, v2;
	v41 =	vor.u32 $0xA06, v2;
	[tilespmem:$0x1FFC0] =	vst v2  }
0x24: {  	s8 =	sadd.s32 $0x8000, s1;
	s9 =	sadd.s32 $0xC000, s1;
	v55 =	vor.u32 $0xC06, v2;
	v42 =	vor.u32 $0xE06, v2;
	v43 =	vor.u32 $0x7, v2;
	s31 =	ssub.s32 s6, s7;
	[tilespmem:$0x1FFD0] =	vst v19  }
0x25: {  	s3 =	sor.u32 s3, s5;
	s5 =	sadd.s32 $0xF42A00, s0;
	v44 =	vor.u32 $0x207, v2;
	v39 =	vor.u32 $0x407, v2;
	v45 =	vor.u32 $0x607, v2;
	s0 =	smax.u32 s31, $0x1;
	[tilespmem:$0x1FFE0] =	vst v7  }
0x26: {  	v36 =	vor.u32 $0x807, v2;
	v38 =	vor.u32 $0xA07, v2;
	v47 =	vor.u32 $0xC07, v2;
	s6 =	smul.u32 $0xC8, s3;
	s7 =	sadd.s32 $0x4000, s1;
	[dreg:$0x3] =	wrdreg s0;
	[tilespmem:$0x1FFF0] =	vst v8  }
.LBB2_1:
0x27: {  	[dreg:$0x4] =	wrdreg s10;
	s29 =	simm.s32 $0x0  }
.LBB2_2:
0x28: {  	p0 =	seq.s32 s29, $0x0  }
0x29: {  	s0 =	sshll.u32 s29, $0x1;
	s3 =	simm.s32 @!p0 $0x3  }
0x2a: {  	s31 =	sadd.s32 s6, s0;
	_ =	swait.ge @!p0 [sflag:s3], $0x1000  }
0x2b: {  	s0 =	sshll.u32 s31, $0x4;
	[sflag:s3] =	ssyncset.done @!p0 $0x0  }
0x2c: {  	s0 =	sadd.s32 s4, s0;
	[sflag:s3] =	ssyncadd.s32 @!p0 $0xFFFFF000  }
0x2d: {  	[tilespmem:s2], [sflag:$0x5] =	stream.linear.gather [hbm4b:s0+s2], $0x80, $0x38;
	[tilespmem:$0x4100] =	vst v63  }
0x2e: {  	_ =	swait.ge [sflag:s11], $0x80  }
0x2f: {  	[sflag:s11] =	ssyncset.done $0x0  }
0x30: {  	s30 =	sor.u32 $0x1, s31;
	s3 =	simm.s32 @!p0 $0x4;
	[sflag:s11] =	ssyncadd.s32 $0xFFFFFF80  }
0x31: {  	[tilespmem:s13], [sflag:$0x1] =	stream.indirect.gather [hbm4b:s5+s12], $0x20, s2, s12, $0xb8;
	[tilespmem:$0x4100] =	vst v63  }
0x32: {  	s10 =	sshll.u32 s30, $0x4;
	_ =	swait.ge @!p0 [sflag:s3], $0x1000  }
0x33: {  	s10 =	sand.u32 $0x1FFFFFF0, s10;
	s0 =	simm.s32 $0x0;
	[sflag:s3] =	ssyncset.done @!p0 $0x0  }
0x34: {  	s10 =	sadd.s32 s4, s10;
	v0 =	vmov s0;
	[sflag:s3] =	ssyncadd.s32 @!p0 $0xFFFFF000  }
0x35: {  	v0 =	vshrl.u32 v0, $0x3;
	[tilespmem:s12], [sflag:$0x5] =	stream.linear.gather [hbm4b:s10+s0], $0x80, $0x38;
	[tilespmem:$0x4100] =	vst v63  }
0x36: {  	s25 =	simm.s32 $0x1;
	s26 =	simm.s32 $0x2;
	v0 =	vshll.u32 v0, v1;
	_ =	swait.ge [sflag:s11], $0x80  }
0x37: {  	v7 =	vmovc v2;
	v3 =	vmov s26;
	s26 =	simm.s32 $0x4;
	v2 =	vbroadcast v0, $0x0;
	v0 =	vmov s25;
	s25 =	simm.s32 $0x3;
	[sflag:s11] =	ssyncset.done $0x0  }
0x38: {  	v5 =	vmov s26;
	s26 =	simm.s32 $0x7;
	v3 =	vshrl.u32 v3, $0x3;
	v4 =	vmov s25;
	s25 =	simm.s32 $0x6;
	[sflag:s11] =	ssyncadd.s32 $0xFFFFFF80  }
0x39: {  	v62 =	vmovc v10;
	v10 =	vor.u32 v7, v2;
	v7 =	vmov s26;
	v8 =	vmov s25;
	[tilespmem:s14], [sflag:$0x2] =	stream.indirect.gather [hbm4b:s5+s12], $0x20, s12, s12, $0xb8;
	[tilespmem:$0x4100] =	vst v63  }
0x3a: {  	v0 =	vshrl.u32 v0, $0x3;
	v4 =	vshrl.u32 v4, $0x3;
	v7 =	vshrl.u32 v7, $0x3;
	_ =	swait.ge [sflag:s15], $0x1000  }
0x3b: {  	v0 =	vshll.u32 v0, v1;
	v12 =	vshrl.u32 v8, $0x3;
	v7 =	vshll.u32 v7, v1;
	v59 =	vld [tilespmem:$0x1FDE0]  }
0x3c: {  	v61 =	vmovc v60;
	v7 =	vbroadcast v7, $0x0;
	v8 =	vmovc v9;
	v9 =	vbroadcast v0, $0x0;
	v0 =	vshll.u32 v3, v1;
	v60 =	vld [tilespmem:$0x1FDF0]  }
0x3d: {  	v25 =	vmov v46;
	v46 =	vbroadcast v0, $0x0;
	v0 =	vshll.u32 v4, v1;
	v4 =	vld [tilespmem:$0x1FE00]  }
0x3e: {  	v6 =	vmov s28;
	v13 =	vor.u32 v43, v7  }
0x3f: {  	v11 =	vshrl.u32 v6, $0x3;
	v5 =	vshrl.u32 v5, $0x3  }
0x40: {  	v23 =	vmovc v14;
	v6 =	vbroadcast v0, $0x0;
	v0 =	vshll.u32 v5, v1;
	v14 =	vor.u32 v59, v9  }
0x41: {  	v19 =	vmovc v15;
	v5 =	vbroadcast v0, $0x0;
	v0 =	vshll.u32 v11, v1;
	[sflag:s15] =	ssyncset.done $0x0;
	v15 =	vor.u32 v60, v46  }
0x42: {  	[sflag:s15] =	ssyncadd.s32 $0xFFFFF000;
	v11 =	vor.u32 v4, v6;
	v4 =	vbroadcast v0, $0x0;
	v0 =	vshll.u32 v12, v1  }
0x43: {  	v13 =	vld.idx.msk [tilespmem:v13+s13+$0x0], $0xffff;
	v12 =	vor.u32 v48, v5;
	v3 =	vbroadcast v0, $0x0  }
0x44: {  	v10 =	vld.idx.msk [tilespmem:v10+s13+$0x0], $0xffff;
	v0 =	vor.u32 v33, v4  }
0x45: {  	v34 =	vmov v16;
	v16 =	vor.u32 v40, v3;
	v14 =	vld.idx.msk [tilespmem:v14+s13+$0x0], $0xffff  }
0x46: {  	v17 =	vor.u32 v44, v7;
	v15 =	vld.idx.msk [tilespmem:v15+s13+$0x0], $0xffff  }
0x47: {  	s0 =	simm.s32 $0x2300;
	v48 =	vmov v18;
	v18 =	vor.u32 v19, v9;
	v11 =	vld.idx.msk [tilespmem:v11+s13+$0x0], $0xffff  }
0x48: {  	v19 =	vor.u32 v54, v46;
	[tilespmem:s0+$0x180] =	vst v13;
	v12 =	vld.idx.msk [tilespmem:v12+s13+$0x0], $0xffff  }
0x49: {  	v20 =	vor.u32 v20, v6;
	[tilespmem:s0+$0xFFFFFE00] =	vst v10;
	v0 =	vld.idx.msk [tilespmem:v0+s13+$0x0], $0xffff  }
0x4a: {  	v21 =	vor.u32 v21, v5;
	v16 =	vld.idx.msk [tilespmem:v16+s13+$0x0], $0xffff;
	[tilespmem:s0+$0xFFFFFE80] =	vst v14  }
0x4b: {  	v13 =	vor.u32 v35, v4;
	v14 =	vld.idx.msk [tilespmem:v17+s13+$0x0], $0xffff;
	[tilespmem:s0+$0xFFFFFF00] =	vst v15  }
0x4c: {  	[tilespmem:s0+$0xFFFFFF80] =	vst v11;
	v11 =	vor.u32 v39, v7;
	v17 =	vld.idx.msk [tilespmem:v18+s13+$0x0], $0xffff  }
0x4d: {  	v15 =	vor.u32 v49, v3;
	[tilespmem:s0+$0x0] =	vst v12;
	v18 =	vld.idx.msk [tilespmem:v19+s13+$0x0], $0xffff  }
0x4e: {  	v19 =	vor.u32 v27, v2;
	v20 =	vld.idx.msk [tilespmem:v20+s13+$0x0], $0xffff;
	[tilespmem:s0+$0x80] =	vst v0  }
0x4f: {  	v12 =	vor.u32 v8, v9;
	v21 =	vld.idx.msk [tilespmem:v21+s13+$0x0], $0xffff;
	[tilespmem:s0+$0x100] =	vst v16  }
0x50: {  	v0 =	vor.u32 v34, v46;
	v13 =	vld.idx.msk [tilespmem:v13+s13+$0x0], $0xffff;
	[tilespmem:s0+$0x190] =	vst v14  }
0x51: {  	v10 =	vor.u32 v25, v5;
	v11 =	vld.idx.msk [tilespmem:v11+s13+$0x0], $0xffff;
	[tilespmem:s0+$0xFFFFFE90] =	vst v17  }
0x52: {  	v15 =	vld.idx.msk [tilespmem:v15+s13+$0x0], $0xffff;
	[tilespmem:s0+$0xFFFFFF10] =	vst v18  }
0x53: {  	v16 =	vor.u32 v24, v6;
	v14 =	vld.idx.msk [tilespmem:v19+s13+$0x0], $0xffff;
	[tilespmem:s0+$0xFFFFFF90] =	vst v20  }
0x54: {  	v17 =	vor.u32 v56, v4;
	[tilespmem:s0+$0x10] =	vst v21;
	v12 =	vld.idx.msk [tilespmem:v12+s13+$0x0], $0xffff  }
0x55: {  	v18 =	vor.u32 v45, v7;
	v0 =	vld.idx.msk [tilespmem:v0+s13+$0x0], $0xffff;
	[tilespmem:s0+$0x90] =	vst v13  }
0x56: {  	v19 =	vor.u32 v50, v3;
	v10 =	vld.idx.msk [tilespmem:v10+s13+$0x0], $0xffff;
	[tilespmem:s0+$0x1A0] =	vst v11  }
0x57: {  	v20 =	vor.u32 v28, v2;
	v8 =	vld [tilespmem:$0x1FEA0]  }
0x58: {  	v21 =	vor.u32 v62, v9;
	v16 =	vld.idx.msk [tilespmem:v16+s13+$0x0], $0xffff  }
0x59: {  	v13 =	vor.u32 v31, v46;
	v17 =	vld.idx.msk [tilespmem:v17+s13+$0x0], $0xffff;
	[tilespmem:s0+$0x110] =	vst v15  }
0x5a: {  	v15 =	vld.idx.msk [tilespmem:v18+s13+$0x0], $0xffff;
	[tilespmem:s0+$0xFFFFFE10] =	vst v14  }
0x5b: {  	[tilespmem:s0+$0xFFFFFEA0] =	vst v12;
	v12 =	vor.u32 v36, v7;
	v18 =	vld.idx.msk [tilespmem:v19+s13+$0x0], $0xffff  }
0x5c: {  	[tilespmem:s0+$0xFFFFFF20] =	vst v0;
	v19 =	vld.idx.msk [tilespmem:v20+s13+$0x0], $0xffff;
	v11 =	vor.u32 v8, v6  }
0x5d: {  	[tilespmem:s0+$0x20] =	vst v10;
	v20 =	vld.idx.msk [tilespmem:v21+s13+$0x0], $0xffff  }
0x5e: {  	v13 =	vld.idx.msk [tilespmem:v13+s13+$0x0], $0xffff;
	[tilespmem:s0+$0xFFFFFFA0] =	vst v16  }
0x5f: {  	v8 =	vld [tilespmem:$0x1FEF0];
	[tilespmem:s0+$0x1B0] =	vst v15  }
0x60: {  	[tilespmem:s0+$0xA0] =	vst v17;
	v12 =	vld.idx.msk [tilespmem:v12+s13+$0x0], $0xffff  }
0x61: {  	v14 =	vor.u32 v22, v5;
	[tilespmem:s0+$0x120] =	vst v18;
	v11 =	vld.idx.msk [tilespmem:v11+s13+$0x0], $0xffff  }
0x62: {  	[tilespmem:s0+$0xFFFFFE20] =	vst v19  }
0x63: {  	[tilespmem:s0+$0xFFFFFEB0] =	vst v20  }
0x64: {  	v0 =	vor.u32 v58, v4;
	[tilespmem:s0+$0xFFFFFF30] =	vst v13  }
0x65: {  	v16 =	vor.u32 v51, v3;
	[tilespmem:s0+$0x1C0] =	vst v12  }
0x66: {  	v21 =	vor.u32 v29, v2;
	v14 =	vld.idx.msk [tilespmem:v14+s13+$0x0], $0xffff;
	[tilespmem:s0+$0xFFFFFFB0] =	vst v11  }
0x67: {  	v10 =	vor.u32 v8, v9;
	v8 =	vld [tilespmem:$0x1FF20];
	_ =	sdelay $0x1  }
0x68: {  	v15 =	vor.u32 v23, v46;
	v0 =	vld.idx.msk [tilespmem:v0+s13+$0x0], $0xffff  }
0x69: {  	v16 =	vld.idx.msk [tilespmem:v16+s13+$0x0], $0xffff  }
0x6a: {  	v18 =	vor.u32 v38, v7;
	v19 =	vld.idx.msk [tilespmem:v21+s13+$0x0], $0xffff;
	[tilespmem:s0+$0x30] =	vst v14  }
0x6b: {  	v12 =	vor.u32 v8, v9;
	v8 =	vld [tilespmem:$0x1FED0];
	_ =	sdelay $0x1  }
0x6c: {  	v17 =	vor.u32 v61, v6;
	v15 =	vld.idx.msk [tilespmem:v15+s13+$0x0], $0xffff;
	[tilespmem:s0+$0xB0] =	vst v0  }
0x6d: {  	v20 =	vor.u32 v48, v5;
	v10 =	vld.idx.msk [tilespmem:v10+s13+$0x0], $0xffff;
	[tilespmem:s0+$0x130] =	vst v16  }
0x6e: {  	v13 =	vor.u32 v37, v4;
	v14 =	vld.idx.msk [tilespmem:v18+s13+$0x0], $0xffff;
	[tilespmem:s0+$0xFFFFFE30] =	vst v19  }
0x6f: {  	v18 =	vor.u32 v8, v46;
	v8 =	vld [tilespmem:$0x1FE60]  }
0x70: {  	v11 =	vor.u32 v52, v3  }
0x71: {  	v17 =	vld.idx.msk [tilespmem:v17+s13+$0x0], $0xffff  }
0x72: {  	v20 =	vld.idx.msk [tilespmem:v20+s13+$0x0], $0xffff;
	v0 =	vor.u32 v47, v7  }
0x73: {  	v13 =	vld.idx.msk [tilespmem:v13+s13+$0x0], $0xffff;
	[tilespmem:s0+$0xFFFFFEC0] =	vst v10  }
0x74: {  	v16 =	vor.u32 v8, v6;
	v8 =	vld [tilespmem:$0x1FE50];
	[tilespmem:s0+$0xFFFFFF40] =	vst v15  }
0x75: {  	v11 =	vld.idx.msk [tilespmem:v11+s13+$0x0], $0xffff;
	[tilespmem:s0+$0x1D0] =	vst v14  }
0x76: {  	v14 =	vld [tilespmem:$0x1FF60]  }
0x77: {  	v21 =	vor.u32 v30, v2;
	[tilespmem:s0+$0xFFFFFFC0] =	vst v17;
	v17 =	vld.idx.msk [tilespmem:v0+s13+$0x0], $0xffff  }
0x78: {  	v31 =	vld [tilespmem:$0x1FFF0]  }
0x79: {  	v0 =	vld [tilespmem:$0x1FF00]  }
0x7a: {  	v62 =	vld [tilespmem:$0x1FE00];
	[tilespmem:s0+$0x40] =	vst v20  }
0x7b: {  	v25 =	vld [tilespmem:$0x1FFC0];
	v10 =	vor.u32 v8, v5  }
0x7c: {  	v19 =	vld.idx.msk [tilespmem:v21+s13+$0x0], $0xffff  }
0x7d: {  	v21 =	vld.idx.msk [tilespmem:v12+s13+$0x0], $0xffff  }
0x7e: {  	v8 =	vld.idx.msk [tilespmem:v18+s13+$0x0], $0xffff  }
0x7f: {  	v24 =	vld.idx.msk [tilespmem:v16+s13+$0x0], $0xffff  }
0x80: {  	[tilespmem:s0+$0xC0] =	vst v13;
	v22 =	vor.u32 v0, v9;
	v0 =	vor.u32 $0xE07, v25;
	v23 =	vld.idx.msk [tilespmem:v10+s13+$0x0], $0xffff  }
0x81: {  	[tilespmem:$0x1FDD0] =	vst v0;
	v10 =	vor.u32 v0, v7;
	v0 =	vld [tilespmem:$0x1FFA0];
	_ =	sdelay $0x2  }
0x82: {  	[tilespmem:s0+$0x140] =	vst v11  }
0x83: {  	[tilespmem:s0+$0xFFFFFE40] =	vst v19  }
0x84: {  	v13 =	vor.u32 v0, v46;
	v0 =	vld [tilespmem:$0x1FF80];
	_ =	sdelay $0x2  }
0x85: {  	v12 =	vor.u32 v57, v4  }
0x86: {  	v18 =	vor.u32 v41, v3;
	[tilespmem:s0+$0xFFFFFED0] =	vst v21  }
0x87: {  	v15 =	vor.u32 v0, v6;
	v0 =	vld [tilespmem:$0x1FF70];
	_ =	sdelay $0x2  }
0x88: {  	v14 =	vor.u32 v14, v2;
	v34 =	vld.idx.msk [tilespmem:v12+s13+$0x0], $0xffff;
	[tilespmem:s0+$0x1E0] =	vst v17  }
0x89: {  	v18 =	vld.idx.msk [tilespmem:v18+s13+$0x0], $0xffff;
	[tilespmem:s0+$0xFFFFFF50] =	vst v8  }
0x8a: {  	v21 =	vor.u32 v0, v5;
	v0 =	vld [tilespmem:$0x1FFB0]  }
0x8b: {  	[tilespmem:s0+$0xFFFFFFD0] =	vst v24  }
0x8c: {  	s26 =	simm.s32 $0x8;
	v54 =	vld [tilespmem:$0x1FFE0];
	[tilespmem:s0+$0x50] =	vst v23  }
0x8d: {  	v7 =	vmov s26;
	v12 =	vld.idx.msk [tilespmem:v14+s13+$0x0], $0xffff;
	[tilespmem:s0+$0xD0] =	vst v34  }
0x8e: {  	v61 =	vor.u32 v63, v4;
	v7 =	vshrl.u32 v7, $0x3;
	v11 =	vld.idx.msk [tilespmem:v22+s13+$0x0], $0xffff;
	[tilespmem:s0+$0x150] =	vst v18  }
0x8f: {  	v7 =	vshll.u32 v7, v1;
	v20 =	vor.u32 v0, v2;
	v0 =	vld [tilespmem:$0x1FFD0]  }
0x90: {  	s10 =	simm.s32 $0x9;
	v9 =	vor.u32 v26, v9;
	s26 =	simm.s32 $0xB;
	v7 =	vbroadcast v7, $0x0;
	v17 =	vld.idx.msk [tilespmem:v10+s13+$0x0], $0xffff  }
0x91: {  	s25 =	simm.s32 $0xA;
	v19 =	vor.u32 v55, v3;
	v16 =	vmov s26;
	v22 =	vmov s10;
	v13 =	vld.idx.msk [tilespmem:v13+s13+$0x0], $0xffff  }
0x92: {  	s10 =	simm.s32 $0xC;
	v22 =	vshrl.u32 v22, $0x3;
	v8 =	vmov s25;
	s25 =	simm.s32 $0xD;
	v10 =	vor.u32 v25, v7;
	v14 =	vld.idx.msk [tilespmem:v15+s13+$0x0], $0xffff  }
0x93: {  	s26 =	simm.s32 $0xE;
	v25 =	vmov s10;
	v24 =	vmov s25;
	v18 =	vshrl.u32 v16, $0x3;
	v16 =	vld.idx.msk [tilespmem:v61+s13+$0x0], $0xffff  }
0x94: {  	s3 =	simm.s32 $0x10;
	s10 =	simm.s32 $0xF;
	v23 =	vmov s26;
	v15 =	vld.idx.msk [tilespmem:v21+s13+$0x0], $0xffff;
	v21 =	vshrl.u32 v8, $0x3;
	v8 =	vor.u32 v0, v46  }
.LBB2_3:
0x95: {  	v6 =	vor.u32 v54, v6  }
0x96: {  	[tilespmem:s0+$0xFFFFFE50] =	vst v12;
	v12 =	vld.idx.msk [tilespmem:v19+s13+$0x0], $0xffff;
	v5 =	vor.u32 v32, v5  }
0x97: {  	[tilespmem:s0+$0xFFFFFEE0] =	vst v11;
	v4 =	vor.u32 v53, v4;
	v11 =	vshll.u32 v22, v1;
	v0 =	vld [tilespmem:$0x1FF90]  }
0x98: {  	v22 =	vld.idx.msk [tilespmem:v9+s13+$0x0], $0xffff;
	v9 =	vbroadcast v11, $0x0;
	v11 =	vshll.u32 v21, v1;
	[tilespmem:s0+$0xFFFFFF60] =	vst v13  }
0x99: {  	v25 =	vshrl.u32 v25, $0x3;
	[tilespmem:s0+$0xFFFFFFE0] =	vst v14;
	v13 =	vld.idx.msk [tilespmem:v8+s13+$0x0], $0xffff;
	v8 =	vbroadcast v11, $0x0;
	v11 =	vshll.u32 v18, v1  }
0x9a: {  	[tilespmem:s0+$0x60] =	vst v15;
	v18 =	vld.idx.msk [tilespmem:v6+s13+$0x0], $0xffff;
	v6 =	vbroadcast v11, $0x0;
	v11 =	vshll.u32 v25, v1  }
0x9b: {  	v19 =	vshrl.u32 v24, $0x3;
	[tilespmem:s0+$0xE0] =	vst v16;
	v21 =	vld.idx.msk [tilespmem:v5+s13+$0x0], $0xffff;
	v5 =	vbroadcast v11, $0x0  }
0x9c: {  	v23 =	vshrl.u32 v23, $0x3;
	v11 =	vshll.u32 v19, v1;
	v19 =	vld.idx.msk [tilespmem:v4+s13+$0x0], $0xffff  }
0x9d: {  	v4 =	vbroadcast v11, $0x0;
	v11 =	vshll.u32 v23, v1;
	v23 =	vor.u32 v0, v5;
	v0 =	vld [tilespmem:$0x1FE40];
	_ =	sdelay $0x3  }
0x9e: {  	v3 =	vor.u32 v42, v3;
	v20 =	vld.idx.msk [tilespmem:v20+s13+$0x0], $0xffff  }
0x9f: {  	[tilespmem:s0+$0x70] =	vst v21;
	v21 =	vor.u32 v0, v9;
	v0 =	vld [tilespmem:$0x1FE30];
	_ =	sdelay $0x1  }
0xa0: {  	[tilespmem:s0+$0x1F0] =	vst v17  }
0xa1: {  	v17 =	vld.idx.msk [tilespmem:v10+s13+$0x0], $0xffff;
	[tilespmem:s0+$0x160] =	vst v12  }
0xa2: {  	v2 =	vor.u32 v31, v2;
	[tilespmem:s0+$0xFFFFFE60] =	vst v20;
	v20 =	vld.idx.msk [tilespmem:v3+s13+$0x0], $0xffff  }
0xa3: {  	[tilespmem:s0+$0xF0] =	vst v19;
	v19 =	vor.u32 v0, v8;
	v0 =	vld [tilespmem:$0x1FE20];
	_ =	sdelay $0x3  }
0xa4: {  	v3 =	vbroadcast v11, $0x0;
	v11 =	vld.idx.msk [tilespmem:v2+s13+$0x0], $0xffff  }
0xa5: {  	[tilespmem:s0+$0x170] =	vst v20;
	v20 =	vor.u32 v0, v6;
	v0 =	vld [tilespmem:$0x1FE10];
	_ =	sdelay $0x2  }
0xa6: {  	v46 =	vmov v26;
	v26 =	vmov s10;
	v15 =	vor.u32 v59, v9  }
0xa7: {  	v24 =	vshrl.u32 v26, $0x3;
	[tilespmem:s0+$0xFFFFFEF0] =	vst v22;
	v2 =	vmov v7;
	v7 =	vor.u32 v33, v4;
	v22 =	vld.idx.msk [tilespmem:v23+s13+$0x0], $0xffff  }
0xa8: {  	v10 =	vshll.u32 v24, v1;
	[tilespmem:s0+$0xFFFFFE70] =	vst v11;
	v11 =	vor.u32 v0, v5;
	v0 =	vld [tilespmem:$0x1FF50]  }
0xa9: {  	v10 =	vbroadcast v10, $0x0;
	_ =	sdelay $0x1  }
0xaa: {  	v14 =	vor.u32 v43, v10;
	[tilespmem:s0+$0xFFFFFF70] =	vst v13;
	v13 =	vld.idx.msk [tilespmem:v15+s13+$0x0], $0xffff  }
0xab: {  	[tilespmem:s0+$0xFFFFFFF0] =	vst v18;
	v15 =	vor.u32 v40, v3;
	s0 =	sadd.s32 $0x400, s0;
	v7 =	vld.idx.msk [tilespmem:v7+s13+$0x0], $0xffff  }
0xac: {  	[tilespmem:s0+$0x0] =	vst v22;
	v22 =	vor.u32 v0, v9;
	v0 =	vld [tilespmem:$0x1FF40];
	_ =	sdelay $0x2  }
0xad: {  	v14 =	vld.idx.msk [tilespmem:v14+s13+$0x0], $0xffff  }
0xae: {  	v18 =	vor.u32 v44, v10;
	v15 =	vld.idx.msk [tilespmem:v15+s13+$0x0], $0xffff  }
0xaf: {  	[tilespmem:s0+$0x80] =	vst v7;
	v7 =	vor.u32 v0, v8;
	v0 =	vld [tilespmem:$0x1FF30];
	_ =	sdelay $0x2  }
0xb0: {  	v12 =	vor.u32 v62, v6;
	[tilespmem:s0+$0x180] =	vst v14  }
0xb1: {  	v14 =	vld.idx.msk [tilespmem:v18+s13+$0x0], $0xffff  }
0xb2: {  	[tilespmem:s0+$0x100] =	vst v15;
	v15 =	vor.u32 v0, v6;
	v0 =	vld [tilespmem:$0x1FEE0];
	_ =	sdelay $0x2  }
0xb3: {  	v12 =	vld.idx.msk [tilespmem:v12+s13+$0x0], $0xffff  }
0xb4: {  	[tilespmem:s0+$0xFFFFFE80] =	vst v13;
	v13 =	vor.u32 v35, v4;
	v11 =	vld.idx.msk [tilespmem:v11+s13+$0x0], $0xffff  }
0xb5: {  	[tilespmem:s0+$0x190] =	vst v14;
	v14 =	vor.u32 v0, v5;
	v0 =	vld [tilespmem:$0x1FF10];
	_ =	sdelay $0x1  }
0xb6: {  	v16 =	vor.u32 v60, v8;
	_ =	sdelay $0x1  }
0xb7: {  	[tilespmem:s0+$0xFFFFFF80] =	vst v12;
	v12 =	vor.u32 v39, v10;
	v13 =	vld.idx.msk [tilespmem:v13+s13+$0x0], $0xffff  }
0xb8: {  	[tilespmem:s0+$0x10] =	vst v11;
	v11 =	vor.u32 v0, v9;
	v0 =	vld [tilespmem:$0x1FEB0];
	_ =	sdelay $0x1  }
0xb9: {  	v16 =	vld.idx.msk [tilespmem:v16+s13+$0x0], $0xffff  }
0xba: {  	v18 =	vld.idx.msk [tilespmem:v21+s13+$0x0], $0xffff  }
0xbb: {  	v21 =	vor.u32 v27, v2;
	v12 =	vld.idx.msk [tilespmem:v12+s13+$0x0], $0xffff  }
0xbc: {  	[tilespmem:s0+$0x90] =	vst v13;
	v13 =	vor.u32 v0, v8;
	v0 =	vld [tilespmem:$0x1FEA0];
	_ =	sdelay $0x1  }
0xbd: {  	[tilespmem:s0+$0xFFFFFF00] =	vst v16  }
0xbe: {  	[tilespmem:s0+$0xFFFFFE00] =	vst v17;
	v16 =	vor.u32 v49, v3;
	v19 =	vld.idx.msk [tilespmem:v19+s13+$0x0], $0xffff  }
0xbf: {  	v17 =	vld.idx.msk [tilespmem:v21+s13+$0x0], $0xffff  }
0xc0: {  	[tilespmem:s0+$0x1A0] =	vst v12;
	v12 =	vor.u32 v0, v6;
	v0 =	vld [tilespmem:$0x1FE80];
	_ =	sdelay $0x2  }
0xc1: {  	v16 =	vld.idx.msk [tilespmem:v16+s13+$0x0], $0xffff  }
0xc2: {  	[tilespmem:s0+$0xFFFFFF10] =	vst v19;
	v19 =	vor.u32 v45, v10;
	v14 =	vld.idx.msk [tilespmem:v14+s13+$0x0], $0xffff  }
0xc3: {  	[tilespmem:s0+$0xFFFFFE10] =	vst v17;
	v17 =	vor.u32 v0, v5;
	v0 =	vld [tilespmem:$0x1FEF0];
	_ =	sdelay $0x1  }
0xc4: {  	[tilespmem:s0+$0xFFFFFE90] =	vst v18  }
0xc5: {  	v18 =	vor.u32 v56, v4;
	v21 =	vld.idx.msk [tilespmem:v22+s13+$0x0], $0xffff  }
0xc6: {  	[tilespmem:s0+$0x110] =	vst v16;
	v16 =	vld.idx.msk [tilespmem:v19+s13+$0x0], $0xffff  }
0xc7: {  	[tilespmem:s0+$0x20] =	vst v14;
	v14 =	vor.u32 v0, v9;
	v0 =	vld [tilespmem:$0x1FEC0];
	_ =	sdelay $0x2  }
0xc8: {  	v18 =	vld.idx.msk [tilespmem:v18+s13+$0x0], $0xffff;
	[tilespmem:s0+$0xFFFFFEA0] =	vst v21;
	v21 =	vor.u32 v36, v10  }
0xc9: {  	v20 =	vld.idx.msk [tilespmem:v20+s13+$0x0], $0xffff  }
0xca: {  	[tilespmem:s0+$0x1B0] =	vst v16;
	v16 =	vor.u32 v0, v8;
	v0 =	vld [tilespmem:$0x1FE70];
	_ =	sdelay $0x2  }
0xcb: {  	[tilespmem:s0+$0xA0] =	vst v18;
	v18 =	vld.idx.msk [tilespmem:v21+s13+$0x0], $0xffff  }
0xcc: {  	[tilespmem:s0+$0xFFFFFF90] =	vst v20;
	v20 =	vor.u32 v50, v3;
	v11 =	vld.idx.msk [tilespmem:v11+s13+$0x0], $0xffff  }
0xcd: {  	v21 =	vor.u32 v0, v6;
	v0 =	vld [tilespmem:$0x1FE90];
	_ =	sdelay $0x2  }
0xce: {  	v15 =	vld.idx.msk [tilespmem:v15+s13+$0x0], $0xffff  }
0xcf: {  	v19 =	vld.idx.msk [tilespmem:v20+s13+$0x0], $0xffff  }
0xd0: {  	[tilespmem:s0+$0xFFFFFEB0] =	vst v11;
	v11 =	vor.u32 v0, v5;
	v0 =	vld [tilespmem:$0x1FF20];
	_ =	sdelay $0x2  }
0xd1: {  	[tilespmem:s0+$0xFFFFFFA0] =	vst v15;
	v15 =	vor.u32 v51, v3  }
0xd2: {  	[tilespmem:s0+$0x120] =	vst v19;
	v19 =	vor.u32 v38, v10;
	v17 =	vld.idx.msk [tilespmem:v17+s13+$0x0], $0xffff  }
0xd3: {  	[tilespmem:s0+$0x1C0] =	vst v18;
	v18 =	vor.u32 v0, v9;
	v0 =	vld [tilespmem:$0x1FED0]  }
0xd4: {  	v7 =	vld.idx.msk [tilespmem:v7+s13+$0x0], $0xffff  }
0xd5: {  	v22 =	vor.u32 v28, v2  }
0xd6: {  	v15 =	vld.idx.msk [tilespmem:v15+s13+$0x0], $0xffff  }
0xd7: {  	[tilespmem:s0+$0x30] =	vst v17;
	v17 =	vld.idx.msk [tilespmem:v19+s13+$0x0], $0xffff  }
0xd8: {  	v19 =	vor.u32 v0, v8;
	v0 =	vld [tilespmem:$0x1FE60]  }
0xd9: {  	[tilespmem:s0+$0xFFFFFF20] =	vst v7;
	v7 =	vor.u32 v58, v4  }
0xda: {  	v20 =	vld.idx.msk [tilespmem:v22+s13+$0x0], $0xffff  }
0xdb: {  	v13 =	vld.idx.msk [tilespmem:v13+s13+$0x0], $0xffff  }
0xdc: {  	v22 =	vor.u32 v29, v2;
	v14 =	vld.idx.msk [tilespmem:v14+s13+$0x0], $0xffff  }
0xdd: {  	[tilespmem:s0+$0x130] =	vst v15;
	v15 =	vor.u32 v0, v6;
	v0 =	vld [tilespmem:$0x1FE50]  }
0xde: {  	v7 =	vld.idx.msk [tilespmem:v7+s13+$0x0], $0xffff  }
0xdf: {  	[tilespmem:s0+$0xFFFFFE20] =	vst v20;
	v12 =	vld.idx.msk [tilespmem:v12+s13+$0x0], $0xffff  }
0xe0: {  	[tilespmem:s0+$0xFFFFFF30] =	vst v13;
	v13 =	vor.u32 v37, v4  }
0xe1: {  	v20 =	vld.idx.msk [tilespmem:v22+s13+$0x0], $0xffff  }
0xe2: {  	[tilespmem:s0+$0xFFFFFEC0] =	vst v14;
	v14 =	vor.u32 v0, v5;
	v0 =	vld [tilespmem:$0x1FF60]  }
0xe3: {  	v22 =	vor.u32 v30, v2;
	[tilespmem:s0+$0xB0] =	vst v7;
	v16 =	vld.idx.msk [tilespmem:v16+s13+$0x0], $0xffff  }
0xe4: {  	[tilespmem:s0+$0xFFFFFFB0] =	vst v12;
	v12 =	vor.u32 v52, v3  }
0xe5: {  	v7 =	vld.idx.msk [tilespmem:v13+s13+$0x0], $0xffff  }
0xe6: {  	[tilespmem:s0+$0xFFFFFE30] =	vst v20;
	v13 =	vor.u32 v47, v10;
	v21 =	vld.idx.msk [tilespmem:v21+s13+$0x0], $0xffff  }
0xe7: {  	[tilespmem:s0+$0x1D0] =	vst v17;
	v17 =	vor.u32 v0, v2;
	v0 =	vld [tilespmem:$0x1FF00]  }
0xe8: {  	v20 =	vld.idx.msk [tilespmem:v22+s13+$0x0], $0xffff;
	[tilespmem:s0+$0xFFFFFF40] =	vst v16;
	v16 =	vor.u32 v57, v4  }
0xe9: {  	v12 =	vld.idx.msk [tilespmem:v12+s13+$0x0], $0xffff  }
0xea: {  	v11 =	vld.idx.msk [tilespmem:v11+s13+$0x0], $0xffff  }
0xeb: {  	[tilespmem:s0+$0xC0] =	vst v7;
	v13 =	vld.idx.msk [tilespmem:v13+s13+$0x0], $0xffff  }
0xec: {  	[tilespmem:s0+$0xFFFFFFC0] =	vst v21;
	v21 =	vor.u32 v0, v9;
	v0 =	vld [tilespmem:$0x1FDD0]  }
0xed: {  	v16 =	vld.idx.msk [tilespmem:v16+s13+$0x0], $0xffff  }
0xee: {  	v18 =	vld.idx.msk [tilespmem:v18+s13+$0x0], $0xffff  }
0xef: {  	[tilespmem:s0+$0x40] =	vst v11;
	v11 =	vld [tilespmem:$0x1FF70]  }
0xf0: {  	v19 =	vld.idx.msk [tilespmem:v19+s13+$0x0], $0xffff  }
0xf1: {  	v61 =	vmov v47;
	v10 =	vor.u32 v0, v10;
	v0 =	vld [tilespmem:$0x1FFA0]  }
0xf2: {  	s26 =	sadd.s32 $0x2, s3;
	v34 =	vmovc v29;
	v48 =	vmovc v38;
	v38 =	vmov v36;
	v36 =	vmov v45;
	v45 =	vmov v39;
	[tilespmem:s0+$0xFFFFFE40] =	vst v20;
	v15 =	vld.idx.msk [tilespmem:v15+s13+$0x0], $0xffff  }
0xf3: {  	v29 =	vmov s26;
	v39 =	vmovc v44;
	v44 =	vmovc v42;
	v42 =	vmov v55;
	v22 =	vor.u32 v41, v3;
	[tilespmem:s0+$0x140] =	vst v12;
	v23 =	vld.idx.msk [tilespmem:v14+s13+$0x0], $0xffff  }
0xf4: {  	v47 =	vmovc v43;
	v43 =	vmovc v41;
	v41 =	vmov v52;
	v52 =	vmov v51;
	v51 =	vmov v50;
	[tilespmem:s0+$0xFFFFFED0] =	vst v18;
	v12 =	vld.idx.msk [tilespmem:v17+s13+$0x0], $0xffff  }
0xf5: {  	v50 =	vmovc v49;
	v49 =	vmovc v40;
	v40 =	vmov v53;
	v7 =	vmov s3;
	v18 =	vor.u32 v11, v5;
	v11 =	vld.idx.msk [tilespmem:v21+s13+$0x0], $0xffff  }
0xf6: {  	s25 =	sadd.s32 $0x1, s3;
	v53 =	vmovc v57;
	v7 =	vshrl.u32 v7, $0x3;
	v57 =	vmovc v37;
	v37 =	vmov v58;
	[tilespmem:s0+$0x1E0] =	vst v13;
	v14 =	vor.u32 v0, v8;
	v0 =	vld [tilespmem:$0x1FF80]  }
0xf7: {  	v58 =	vmovc v56;
	v56 =	vmovc v33;
	v33 =	vmov v28;
	v28 =	vor.u32 v63, v4;
	[tilespmem:s0+$0xD0] =	vst v16;
	v21 =	vmov s25;
	s25 =	sadd.s32 $0x3, s3;
	v17 =	vld.idx.msk [tilespmem:v10+s13+$0x0], $0xffff  }
0xf8: {  	s26 =	sadd.s32 $0x5, s3;
	[tilespmem:s0+$0xFFFFFF50] =	vst v19;
	v19 =	vor.u32 v55, v3;
	v55 =	vmovc v63;
	v63 =	vmovc v35;
	v35 =	vmov v30;
	v30 =	vmov s25;
	v10 =	vld [tilespmem:$0x1FFB0]  }
0xf9: {  	v24 =	vmov s26;
	s26 =	sadd.s32 $0x6, s3;
	v7 =	vshll.u32 v7, v1;
	v16 =	vld [tilespmem:$0x1FFD0];
	[tilespmem:s0+$0xFFFFFFD0] =	vst v15  }
0xfa: {  	v7 =	vbroadcast v7, $0x0;
	[tilespmem:s0+$0x50] =	vst v23;
	v23 =	vmov s26  }
0xfb: {  	v9 =	vor.u32 v46, v9;
	v15 =	vld.idx.msk [tilespmem:v18+s13+$0x0], $0xffff;
	v18 =	vshrl.u32 v30, $0x3;
	v30 =	vmovc v35;
	v35 =	vmovc v63;
	v63 =	vmov v55  }
0xfc: {  	v55 =	vmovc v42;
	v42 =	vmovc v44;
	v26 =	vor.u32 v0, v6;
	v0 =	vmov v32;
	v32 =	vmov v27;
	v27 =	vld.idx.msk [tilespmem:v22+s13+$0x0], $0xffff  }
0xfd: {  	p0 =	slt.u32 s3, $0x18;
	v44 =	vmovc v39;
	v39 =	vmovc v45;
	v45 =	vmov v36;
	v36 =	vmov v38;
	v20 =	vor.u32 v10, v2;
	v10 =	vld [tilespmem:$0x1FFC0]  }
.Ltmp0:
0xfe: {  	v38 =	vmovc v48;
	v8 =	vor.u32 v16, v8;
	v16 =	vld.idx.msk [tilespmem:v28+s13+$0x0], $0xffff;
	v28 =	vmovc v33;
	v33 =	vmov v56;
	v56 =	vmov v58;
	(pc) =	sbr.rel @p0 .LBB2_3-.Ltmp0, $4  }
0xff: {  	v58 =	vmovc v37;
	v37 =	vmovc v57;
	v57 =	vmov v53;
	v53 =	vmov v40;
	v40 =	vmov v49  }
0x100: {  	v49 =	vmovc v50;
	v50 =	vmovc v51;
	v51 =	vmov v52;
	v52 =	vmov v41;
	v41 =	vmov v43  }
0x101: {  	s25 =	sadd.s32 $0x4, s3;
	v43 =	vmovc v47;
	v47 =	vmovc v61;
	v13 =	vld.idx.msk [tilespmem:v14+s13+$0x0], $0xffff;
	v22 =	vshrl.u32 v21, $0x3;
	v21 =	vshrl.u32 v29, $0x3;
	v29 =	vmov v34  }
0x102: {  	s10 =	sadd.s32 $0x7, s3;
	s3 =	sadd.s32 $0x8, s3;
	v25 =	vmov s25;
	v10 =	vor.u32 v10, v7;
	v14 =	vld.idx.msk [tilespmem:v26+s13+$0x0], $0xffff;
	v26 =	vmovc v46;
	[tilespmem:s0+$0x150] =	vst v27;
	v27 =	vmovc v32;
	v32 =	vmov v0  }
0x103: {  	_ =	sdelay $0x1  }
0x104: {  	[tilespmem:s0+$0xFFFFFE50] =	vst v12  }
0x105: {  	[tilespmem:s0+$0x1F0] =	vst v17  }
0x106: {  	v12 =	vshrl.u32 v25, $0x3;
	v25 =	vmov s10;
	v6 =	vor.u32 v54, v6;
	v17 =	vld.idx.msk [tilespmem:v19+s13+$0x0], $0xffff;
	[tilespmem:s0+$0xFFFFFEE0] =	vst v11  }
0x107: {  	v19 =	vshrl.u32 v24, $0x3;
	v5 =	vor.u32 v32, v5;
	[tilespmem:s0+$0x60] =	vst v15;
	v24 =	vshrl.u32 v25, $0x3;
	v20 =	vld.idx.msk [tilespmem:v20+s13+$0x0], $0xffff  }
0x108: {  	[tilespmem:s0+$0xE0] =	vst v16;
	v9 =	vld.idx.msk [tilespmem:v9+s13+$0x0], $0xffff;
	v11 =	vshll.u32 v24, v1;
	v24 =	vor.u32 v53, v4  }
0x109: {  	v4 =	vshll.u32 v22, v1;
	[tilespmem:s0+$0xFFFFFF60] =	vst v13;
	v11 =	vbroadcast v11, $0x0;
	v13 =	vor.u32 v42, v3  }
0x10a: {  	v3 =	vbroadcast v4, $0x0;
	v4 =	vshll.u32 v21, v1;
	[tilespmem:s0+$0xFFFFFFE0] =	vst v14;
	v14 =	vor.u32 v31, v2;
	v21 =	vld.idx.msk [tilespmem:v8+s13+$0x0], $0xffff  }
0x10b: {  	v2 =	vbroadcast v4, $0x0;
	v4 =	vshll.u32 v18, v1;
	v15 =	vor.u32 v43, v11;
	v18 =	vld.idx.msk [tilespmem:v6+s13+$0x0], $0xffff;
	[tilespmem:s0+$0x160] =	vst v17  }
0x10c: {  	v16 =	vor.u32 v59, v3;
	v6 =	vshll.u32 v12, v1;
	v12 =	vld.idx.msk [tilespmem:v5+s13+$0x0], $0xffff;
	[tilespmem:s0+$0xFFFFFE60] =	vst v20  }
0x10d: {  	v4 =	vbroadcast v4, $0x0;
	v5 =	vbroadcast v6, $0x0;
	v6 =	vshll.u32 v19, v1;
	[tilespmem:s0+$0xFFFFFEF0] =	vst v9;
	v19 =	vld.idx.msk [tilespmem:v24+s13+$0x0], $0xffff  }
0x10e: {  	v17 =	vor.u32 v60, v2;
	v9 =	vld [tilespmem:$0x1FF90]  }
0x10f: {  	v23 =	vshrl.u32 v23, $0x3;
	v20 =	vor.u32 v62, v4;
	v6 =	vbroadcast v6, $0x0;
	v13 =	vld.idx.msk [tilespmem:v13+s13+$0x0], $0xffff  }
0x110: {  	v8 =	vshll.u32 v23, v1;
	v14 =	vld.idx.msk [tilespmem:v14+s13+$0x0], $0xffff;
	[tilespmem:s0+$0xFFFFFF70] =	vst v21  }
0x111: {  	v8 =	vbroadcast v8, $0x0;
	v21 =	vor.u32 v33, v6;
	v15 =	vld.idx.msk [tilespmem:v15+s13+$0x0], $0xffff;
	[tilespmem:s0+$0xFFFFFFF0] =	vst v18  }
0x112: {  	v16 =	vld.idx.msk [tilespmem:v16+s13+$0x0], $0xffff;
	[tilespmem:s0+$0x70] =	vst v12  }
0x113: {  	v18 =	vor.u32 v40, v8;
	v12 =	vld.idx.msk [tilespmem:v17+s13+$0x0], $0xffff;
	[tilespmem:s0+$0xF0] =	vst v19  }
0x114: {  	v19 =	vld.idx.msk [tilespmem:v20+s13+$0x0], $0xffff;
	[tilespmem:s0+$0x170] =	vst v13  }
0x115: {  	v9 =	vor.u32 v9, v5;
	v13 =	vld [tilespmem:$0x1FE40]  }
0x116: {  	[tilespmem:s0+$0xFFFFFE70] =	vst v14;
	v20 =	vld.idx.msk [tilespmem:v21+s13+$0x0], $0xffff  }
0x117: {  	s25 =	sadd.s32 $0x400, s0;
	v14 =	vld [tilespmem:$0x1FE30]  }
0x118: {  	v17 =	vor.u32 v44, v11;
	[tilespmem:s25+$0x180] =	vst v15;
	v18 =	vld.idx.msk [tilespmem:v18+s13+$0x0], $0xffff  }
0x119: {  	v21 =	vld [tilespmem:$0x1FE20]  }
0x11a: {  	[tilespmem:s25+$0xFFFFFE80] =	vst v16;
	v9 =	vld.idx.msk [tilespmem:v9+s13+$0x0], $0xffff  }
0x11b: {  	v22 =	vld [tilespmem:$0x1FE10];
	[tilespmem:s25+$0xFFFFFF00] =	vst v12;
	v12 =	vor.u32 v35, v6;
	_ =	sdelay $0x1  }
0x11c: {  	v17 =	vld.idx.msk [tilespmem:v17+s13+$0x0], $0xffff;
	[tilespmem:s25+$0xFFFFFF80] =	vst v19;
	v13 =	vor.u32 v13, v3  }
0x11d: {  	[tilespmem:s25+$0x80] =	vst v20  }
0x11e: {  	v10 =	vld.idx.msk [tilespmem:v10+s13+$0x0], $0xffff;
	v14 =	vor.u32 v14, v2;
	[tilespmem:s25+$0x100] =	vst v18  }
0x11f: {  	v19 =	vor.u32 v39, v11;
	[tilespmem:s25+$0x0] =	vst v9;
	v12 =	vld.idx.msk [tilespmem:v12+s13+$0x0], $0xffff  }
0x120: {  	v18 =	vld [tilespmem:$0x1FF50]  }
0x121: {  	v15 =	vor.u32 v21, v4;
	[tilespmem:s25+$0x190] =	vst v17;
	v13 =	vld.idx.msk [tilespmem:v13+s13+$0x0], $0xffff  }
0x122: {  	v16 =	vor.u32 v22, v5;
	v17 =	vld [tilespmem:$0x1FF40]  }
0x123: {  	v14 =	vld.idx.msk [tilespmem:v14+s13+$0x0], $0xffff  }
0x124: {  	v9 =	vor.u32 v49, v8;
	[tilespmem:s25+$0xFFFFFE00] =	vst v10;
	v19 =	vld.idx.msk [tilespmem:v19+s13+$0x0], $0xffff  }
0x125: {  	v10 =	vld [tilespmem:$0x1FF30]  }
0x126: {  	v20 =	vor.u32 v27, v7;
	v15 =	vld.idx.msk [tilespmem:v15+s13+$0x0], $0xffff  }
0x127: {  	v16 =	vld.idx.msk [tilespmem:v16+s13+$0x0], $0xffff;
	v18 =	vor.u32 v18, v3;
	[tilespmem:s25+$0xFFFFFE90] =	vst v13  }
0x128: {  	v13 =	vld [tilespmem:$0x1FEE0];
	[tilespmem:s25+$0xFFFFFF10] =	vst v14  }
0x129: {  	v9 =	vld.idx.msk [tilespmem:v9+s13+$0x0], $0xffff;
	v17 =	vor.u32 v17, v2;
	[tilespmem:s25+$0x90] =	vst v12  }
0x12a: {  	[tilespmem:s25+$0x1A0] =	vst v19  }
0x12b: {  	v14 =	vld.idx.msk [tilespmem:v20+s13+$0x0], $0xffff;
	[tilespmem:s25+$0xFFFFFF90] =	vst v15;
	v15 =	vor.u32 v56, v6  }
0x12c: {  	[tilespmem:s25+$0x10] =	vst v16;
	v18 =	vld.idx.msk [tilespmem:v18+s13+$0x0], $0xffff  }
0x12d: {  	v10 =	vor.u32 v10, v4;
	v19 =	vld [tilespmem:$0x1FF10]  }
0x12e: {  	v20 =	vor.u32 v45, v11;
	[tilespmem:s25+$0x110] =	vst v9;
	v16 =	vld.idx.msk [tilespmem:v17+s13+$0x0], $0xffff  }
0x12f: {  	v12 =	vor.u32 v28, v7;
	v9 =	vld [tilespmem:$0x1FEB0]  }
0x130: {  	v17 =	vor.u32 v50, v8;
	[tilespmem:s25+$0xFFFFFE10] =	vst v14;
	v14 =	vld.idx.msk [tilespmem:v15+s13+$0x0], $0xffff  }
0x131: {  	v13 =	vor.u32 v13, v5;
	v15 =	vld [tilespmem:$0x1FEA0]  }
0x132: {  	v10 =	vld.idx.msk [tilespmem:v10+s13+$0x0], $0xffff  }
0x133: {  	v20 =	vld.idx.msk [tilespmem:v20+s13+$0x0], $0xffff;
	v19 =	vor.u32 v19, v3  }
0x134: {  	v12 =	vld.idx.msk [tilespmem:v12+s13+$0x0], $0xffff;
	[tilespmem:s25+$0xFFFFFEA0] =	vst v18;
	v18 =	vor.u32 v36, v11  }
0x135: {  	v9 =	vor.u32 v9, v2;
	v17 =	vld.idx.msk [tilespmem:v17+s13+$0x0], $0xffff  }
0x136: {  	[tilespmem:s25+$0xFFFFFF20] =	vst v16;
	v13 =	vld.idx.msk [tilespmem:v13+s13+$0x0], $0xffff;
	v15 =	vor.u32 v15, v4  }
0x137: {  	v61 =	vld [tilespmem:$0x1FE80];
	[tilespmem:s25+$0xFFFFFFA0] =	vst v10  }
0x138: {  	[tilespmem:s25+$0x1B0] =	vst v20;
	v10 =	vld.idx.msk [tilespmem:v19+s13+$0x0], $0xffff  }
0x139: {  	v19 =	vor.u32 v58, v6;
	v18 =	vld.idx.msk [tilespmem:v18+s13+$0x0], $0xffff  }
0x13a: {  	[tilespmem:s25+$0xA0] =	vst v14;
	v9 =	vld.idx.msk [tilespmem:v9+s13+$0x0], $0xffff  }
0x13b: {  	v20 =	vor.u32 v29, v7;
	[tilespmem:s25+$0x20] =	vst v13;
	v15 =	vld.idx.msk [tilespmem:v15+s13+$0x0], $0xffff  }
0x13c: {  	v16 =	vor.u32 v61, v5;
	v14 =	vld [tilespmem:$0x1FEF0];
	[tilespmem:s25+$0x120] =	vst v17  }
0x13d: {  	v17 =	vld [tilespmem:$0x1FEC0];
	[tilespmem:s25+$0xFFFFFE20] =	vst v12  }
0x13e: {  	v13 =	vor.u32 v51, v8;
	v12 =	vld.idx.msk [tilespmem:v19+s13+$0x0], $0xffff;
	[tilespmem:s25+$0xFFFFFEB0] =	vst v10  }
0x13f: {  	v25 =	vld [tilespmem:$0x1FE70]  }
0x140: {  	v19 =	vor.u32 v38, v11;
	[tilespmem:s25+$0xFFFFFF30] =	vst v9;
	v9 =	vld.idx.msk [tilespmem:v20+s13+$0x0], $0xffff  }
0x141: {  	v16 =	vld.idx.msk [tilespmem:v16+s13+$0x0], $0xffff;
	v14 =	vor.u32 v14, v3  }
0x142: {  	v20 =	vld [tilespmem:$0x1FE90]  }
0x143: {  	v13 =	vld.idx.msk [tilespmem:v13+s13+$0x0], $0xffff;
	[tilespmem:s25+$0xFFFFFFB0] =	vst v15;
	v15 =	vor.u32 v37, v6  }
0x144: {  	[tilespmem:s25+$0x1C0] =	vst v18;
	v17 =	vor.u32 v17, v2  }
0x145: {  	v19 =	vld.idx.msk [tilespmem:v19+s13+$0x0], $0xffff;
	[tilespmem:s25+$0xB0] =	vst v12  }
0x146: {  	v10 =	vor.u32 v25, v4;
	[tilespmem:s25+$0x30] =	vst v16;
	v14 =	vld.idx.msk [tilespmem:v14+s13+$0x0], $0xffff  }
0x147: {  	v20 =	vor.u32 v20, v5;
	v12 =	vld [tilespmem:$0x1FF20]  }
0x148: {  	v18 =	vor.u32 v52, v8;
	[tilespmem:s25+$0x130] =	vst v13;
	v15 =	vld.idx.msk [tilespmem:v15+s13+$0x0], $0xffff  }
0x149: {  	[tilespmem:s25+$0xFFFFFE30] =	vst v9;
	v17 =	vld.idx.msk [tilespmem:v17+s13+$0x0], $0xffff  }
0x14a: {  	v23 =	vld [tilespmem:$0x1FED0]  }
0x14b: {  	v16 =	vor.u32 v30, v7;
	v10 =	vld.idx.msk [tilespmem:v10+s13+$0x0], $0xffff  }
0x14c: {  	v13 =	vld.idx.msk [tilespmem:v20+s13+$0x0], $0xffff;
	v20 =	vor.u32 v47, v11  }
0x14d: {  	v18 =	vld.idx.msk [tilespmem:v18+s13+$0x0], $0xffff;
	v12 =	vor.u32 v12, v3;
	[tilespmem:s25+$0xFFFFFEC0] =	vst v14  }
0x14e: {  	v14 =	vld [tilespmem:$0x1FE60];
	[tilespmem:s25+$0xFFFFFF40] =	vst v17  }
0x14f: {  	v9 =	vor.u32 v23, v2;
	v17 =	vld [tilespmem:$0x1FE50]  }
0x150: {  	v16 =	vld.idx.msk [tilespmem:v16+s13+$0x0], $0xffff;
	[tilespmem:s25+$0x1D0] =	vst v19  }
0x151: {  	[tilespmem:s25+$0xFFFFFFC0] =	vst v10;
	v20 =	vld.idx.msk [tilespmem:v20+s13+$0x0], $0xffff  }
0x152: {  	[tilespmem:s25+$0x40] =	vst v13;
	v12 =	vld.idx.msk [tilespmem:v12+s13+$0x0], $0xffff  }
0x153: {  	v13 =	vld [tilespmem:$0x1FF60];
	v14 =	vor.u32 v14, v4  }
0x154: {  	[tilespmem:s25+$0xC0] =	vst v15;
	v9 =	vld.idx.msk [tilespmem:v9+s13+$0x0], $0xffff;
	v17 =	vor.u32 v17, v5  }
0x155: {  	v19 =	vor.u32 v57, v6;
	v15 =	vld [tilespmem:$0x1FDD0];
	[tilespmem:s25+$0x140] =	vst v18  }
0x156: {  	v48 =	vld [tilespmem:$0x1FF00];
	[tilespmem:s25+$0xFFFFFE40] =	vst v16  }
0x157: {  	v16 =	vld [tilespmem:$0x1FFA0]  }
0x158: {  	v10 =	vor.u32 v41, v8;
	v14 =	vld.idx.msk [tilespmem:v14+s13+$0x0], $0xffff  }
0x159: {  	v13 =	vor.u32 v13, v7;
	v17 =	vld.idx.msk [tilespmem:v17+s13+$0x0], $0xffff  }
0x15a: {  	v18 =	vld.idx.msk [tilespmem:v19+s13+$0x0], $0xffff;
	[tilespmem:s25+$0xFFFFFED0] =	vst v12  }
0x15b: {  	v11 =	vor.u32 v15, v11;
	v12 =	vld [tilespmem:$0x1FF80];
	[tilespmem:s25+$0x1E0] =	vst v20  }
0x15c: {  	v15 =	vor.u32 v48, v3;
	v19 =	vld [tilespmem:$0x1FF70];
	[tilespmem:s25+$0xFFFFFF50] =	vst v9  }
0x15d: {  	v10 =	vld.idx.msk [tilespmem:v10+s13+$0x0], $0xffff;
	v16 =	vor.u32 v16, v2;
	[tilespmem:s25+$0xFFFFFFD0] =	vst v14  }
0x15e: {  	v13 =	vld.idx.msk [tilespmem:v13+s13+$0x0], $0xffff;
	[tilespmem:s25+$0x50] =	vst v17  }
0x15f: {  	v9 =	vor.u32 v63, v6;
	v17 =	vld [tilespmem:$0x1FFB0]  }
0x160: {  	v12 =	vor.u32 v12, v4;
	v11 =	vld.idx.msk [tilespmem:v11+s13+$0x0], $0xffff  }
0x161: {  	v19 =	vor.u32 v19, v5;
	v14 =	vld.idx.msk [tilespmem:v15+s13+$0x0], $0xffff;
	[tilespmem:s25+$0xD0] =	vst v18  }
0x162: {  	v15 =	vor.u32 v55, v8;
	v16 =	vld.idx.msk [tilespmem:v16+s13+$0x0], $0xffff;
	[tilespmem:s25+$0x150] =	vst v10  }
0x163: {  	v3 =	vor.u32 v26, v3;
	v18 =	vld [tilespmem:$0x1FFD0]  }
0x164: {  	v9 =	vld.idx.msk [tilespmem:v9+s13+$0x0], $0xffff;
	v17 =	vor.u32 v17, v7  }
0x165: {  	v6 =	vor.u32 v53, v6;
	[tilespmem:s25+$0xFFFFFE50] =	vst v13;
	v12 =	vld.idx.msk [tilespmem:v12+s13+$0x0], $0xffff  }
0x166: {  	v4 =	vor.u32 v54, v4;
	[tilespmem:s25+$0x1F0] =	vst v11;
	v10 =	vld.idx.msk [tilespmem:v19+s13+$0x0], $0xffff  }
0x167: {  	v5 =	vor.u32 v32, v5;
	v11 =	vld.idx.msk [tilespmem:v15+s13+$0x0], $0xffff;
	[tilespmem:s25+$0xFFFFFEE0] =	vst v14  }
0x168: {  	v8 =	vor.u32 v42, v8;
	[tilespmem:s25+$0xFFFFFF60] =	vst v16;
	v3 =	vld.idx.msk [tilespmem:v3+s13+$0x0], $0xffff  }
0x169: {  	v2 =	vor.u32 v18, v2;
	[tilespmem:s25+$0xE0] =	vst v9;
	v13 =	vld.idx.msk [tilespmem:v17+s13+$0x0], $0xffff  }
0x16a: {  	v7 =	vor.u32 v31, v7;
	v6 =	vld.idx.msk [tilespmem:v6+s13+$0x0], $0xffff;
	[tilespmem:s25+$0xFFFFFFE0] =	vst v12  }
0x16b: {  	[tilespmem:s25+$0x60] =	vst v10;
	v4 =	vld.idx.msk [tilespmem:v4+s13+$0x0], $0xffff  }
0x16c: {  	[tilespmem:s25+$0x160] =	vst v11;
	v5 =	vld.idx.msk [tilespmem:v5+s13+$0x0], $0xffff  }
0x16d: {  	v8 =	vld.idx.msk [tilespmem:v8+s13+$0x0], $0xffff;
	[tilespmem:s25+$0xFFFFFEF0] =	vst v3  }
0x16e: {  	v2 =	vld.idx.msk [tilespmem:v2+s13+$0x0], $0xffff;
	[tilespmem:s25+$0xFFFFFE60] =	vst v13  }
0x16f: {  	[tilespmem:s25+$0xF0] =	vst v6;
	v3 =	vld.idx.msk [tilespmem:v7+s13+$0x0], $0xffff  }
0x170: {  	[tilespmem:s25+$0xFFFFFFF0] =	vst v4  }
0x171: {  	s3 =	sshll.u32 s31, $0x9;
	s26 =	sshll.u32 s31, $0x7;
	[tilespmem:s25+$0x70] =	vst v5  }
0x172: {  	s31 =	sand.u32 $0x7FFF0000, s3;
	s10 =	sand.u32 $0x3F00, s26;
	[tilespmem:s25+$0x170] =	vst v8  }
0x173: {  	s3 =	sor.u32 s10, s31;
	[tilespmem:s25+$0xFFFFFF70] =	vst v2  }
0x174: {  	s26 =	simm.s32 $0x1;
	s10 =	simm.s32 $0x0;
	[tilespmem:s25+$0xFFFFFE70] =	vst v3;
	s25 =	sadd.s32 s1, s3  }
0x175: {  	[hbm4b:s25+s10] =	stream.linear.scatter [tilespmem:s16], [sflag:$0x3], $0x400, $0x38;
	[tilespmem:$0x4100] =	vst v63  }
0x176: {  	v3 =	vmov s26;
	s26 =	simm.s32 $0x5;
	s25 =	simm.s32 $0x2  }
0x177: {  	v7 =	vmov s26;
	s26 =	simm.s32 $0x7;
	v4 =	vmov s25;
	s25 =	simm.s32 $0x4  }
0x178: {  	v8 =	vmov s26;
	s26 =	simm.s32 $0x6;
	v6 =	vmov s25;
	s25 =	sadd.s32 s3, s7  }
0x179: {  	[hbm4b:s25+s10] =	stream.linear.scatter [tilespmem:s17], [sflag:$0x3], $0x400, $0x38;
	[tilespmem:$0x4100] =	vst v63  }
0x17a: {  	v9 =	vmov s26;
	s26 =	sadd.s32 s3, s8  }
0x17b: {  	[hbm4b:s26+s10] =	stream.linear.scatter [tilespmem:s18], [sflag:$0x3], $0x400, $0x38;
	[tilespmem:$0x4100] =	vst v63  }
0x17c: {  	s25 =	sadd.s32 s3, s9  }
0x17d: {  	[hbm4b:s25+s10] =	stream.linear.scatter [tilespmem:s19], [sflag:$0x3], $0x400, $0x38;
	[tilespmem:$0x4100] =	vst v63  }
0x17e: {  	v24 =	vld [tilespmem:$0x1FFC0];
	_ =	swait.ge [sflag:s20], $0x1000  }
0x17f: {  	v0 =	vld [tilespmem:$0x1FDE0]  }
0x180: {  	v3 =	vshrl.u32 v3, $0x3  }
0x181: {  	v3 =	vshll.u32 v3, v1  }
0x182: {  	v13 =	vshrl.u32 v9, $0x3;
	v9 =	vbroadcast v3, $0x0;
	_ =	sdelay $0x1  }
0x183: {  	s0 =	simm.s32 $0x3;
	v15 =	vor.u32 v0, v9;
	v0 =	vld [tilespmem:$0x1FDF0]  }
0x184: {  	v5 =	vmov s0;
	v4 =	vshrl.u32 v4, $0x3  }
0x185: {  	v5 =	vshrl.u32 v5, $0x3;
	v8 =	vshrl.u32 v8, $0x3;
	v3 =	vshll.u32 v4, v1  }
0x186: {  	v11 =	vshrl.u32 v6, $0x3;
	v6 =	vshll.u32 v8, v1;
	v8 =	vbroadcast v3, $0x0  }
0x187: {  	v12 =	vshrl.u32 v7, $0x3;
	v7 =	vbroadcast v6, $0x0;
	v3 =	vshll.u32 v5, v1  }
0x188: {  	v6 =	vbroadcast v3, $0x0;
	v3 =	vshll.u32 v11, v1;
	v11 =	vor.u32 v0, v8;
	v0 =	vld [tilespmem:$0x1FE00];
	_ =	sdelay $0x3  }
0x189: {  	v14 =	vor.u32 v43, v7  }
0x18a: {  	v5 =	vbroadcast v3, $0x0;
	v3 =	vshll.u32 v12, v1;
	v12 =	vor.u32 v0, v6;
	v0 =	vld [tilespmem:$0x1FF90];
	_ =	sdelay $0x2  }
0x18b: {  	[sflag:s20] =	ssyncset.done $0x0  }
0x18c: {  	[sflag:s20] =	ssyncadd.s32 $0xFFFFF000  }
0x18d: {  	v4 =	vbroadcast v3, $0x0;
	v3 =	vshll.u32 v13, v1;
	v14 =	vld.idx.msk [tilespmem:v14+s14+$0x0], $0xffff;
	v13 =	vor.u32 v0, v5  }
0x18e: {  	v0 =	vld [tilespmem:$0x1FE40]  }
0x18f: {  	v15 =	vld.idx.msk [tilespmem:v15+s14+$0x0], $0xffff  }
0x190: {  	v11 =	vld.idx.msk [tilespmem:v11+s14+$0x0], $0xffff  }
0x191: {  	v12 =	vld.idx.msk [tilespmem:v12+s14+$0x0], $0xffff  }
0x192: {  	s0 =	simm.s32 $0x34F0;
	v16 =	vor.u32 v33, v4;
	v13 =	vld.idx.msk [tilespmem:v13+s14+$0x0], $0xffff  }
0x193: {  	v19 =	vor.u32 v0, v9;
	v0 =	vld [tilespmem:$0x1FE30];
	[tilespmem:s0+$0xFFFFFF90] =	vst v14  }
0x194: {  	[tilespmem:s0+$0xFFFFFC90] =	vst v15  }
0x195: {  	v3 =	vbroadcast v3, $0x0;
	[tilespmem:s0+$0xFFFFFD10] =	vst v11  }
0x196: {  	[tilespmem:s0+$0xFFFFFD90] =	vst v12  }
0x197: {  	v2 =	vmov s10;
	v17 =	vor.u32 v40, v3;
	v16 =	vld.idx.msk [tilespmem:v16+s14+$0x0], $0xffff;
	[tilespmem:s0+$0xFFFFFE10] =	vst v13  }
0x198: {  	v2 =	vshrl.u32 v2, $0x3;
	v20 =	vor.u32 v0, v8;
	v0 =	vld [tilespmem:$0x1FF50]  }
0x199: {  	v2 =	vshll.u32 v2, v1  }
0x19a: {  	v2 =	vbroadcast v2, $0x0  }
0x19b: {  	v18 =	vor.u32 v44, v7  }
0x19c: {  	v10 =	vor.u32 v24, v2;
	v17 =	vld.idx.msk [tilespmem:v17+s14+$0x0], $0xffff;
	[tilespmem:s0+$0xFFFFFE90] =	vst v16  }
0x19d: {  	v13 =	vor.u32 v0, v9;
	v0 =	vld [tilespmem:$0x1FF40];
	_ =	sdelay $0x2  }
0x19e: {  	v21 =	vor.u32 v21, v6;
	v15 =	vld.idx.msk [tilespmem:v18+s14+$0x0], $0xffff  }
0x19f: {  	v22 =	vor.u32 v22, v5;
	v10 =	vld.idx.msk [tilespmem:v10+s14+$0x0], $0xffff;
	[tilespmem:s0+$0xFFFFFF10] =	vst v17  }
0x1a0: {  	v16 =	vor.u32 v0, v8;
	v0 =	vld [tilespmem:$0x1FF30]  }
0x1a1: {  	v18 =	vld.idx.msk [tilespmem:v19+s14+$0x0], $0xffff  }
0x1a2: {  	v19 =	vld.idx.msk [tilespmem:v20+s14+$0x0], $0xffff  }
0x1a3: {  	v21 =	vld.idx.msk [tilespmem:v21+s14+$0x0], $0xffff;
	[tilespmem:s0+$0xFFFFFFA0] =	vst v15  }
0x1a4: {  	v14 =	vor.u32 v35, v4;
	v22 =	vld.idx.msk [tilespmem:v22+s14+$0x0], $0xffff;
	[tilespmem:s0+$0xFFFFFC10] =	vst v10  }
0x1a5: {  	v17 =	vor.u32 v0, v6;
	v0 =	vld [tilespmem:$0x1FEE0]  }
0x1a6: {  	[tilespmem:s0+$0xFFFFFCA0] =	vst v18  }
0x1a7: {  	v11 =	vor.u32 v49, v3;
	[tilespmem:s0+$0xFFFFFD20] =	vst v19  }
0x1a8: {  	v12 =	vor.u32 v39, v7;
	[tilespmem:s0+$0xFFFFFDA0] =	vst v21  }
0x1a9: {  	v14 =	vld.idx.msk [tilespmem:v14+s14+$0x0], $0xffff;
	v20 =	vor.u32 v27, v2;
	[tilespmem:s0+$0xFFFFFE20] =	vst v22  }
0x1aa: {  	v10 =	vor.u32 v0, v5;
	v0 =	vld [tilespmem:$0x1FF10];
	_ =	sdelay $0x1  }
0x1ab: {  	v11 =	vld.idx.msk [tilespmem:v11+s14+$0x0], $0xffff  }
0x1ac: {  	v12 =	vld.idx.msk [tilespmem:v12+s14+$0x0], $0xffff  }
0x1ad: {  	v15 =	vld.idx.msk [tilespmem:v20+s14+$0x0], $0xffff;
	[tilespmem:s0+$0xFFFFFEA0] =	vst v14  }
0x1ae: {  	v22 =	vor.u32 v0, v9;
	v0 =	vld [tilespmem:$0x1FEB0]  }
0x1af: {  	v13 =	vld.idx.msk [tilespmem:v13+s14+$0x0], $0xffff  }
0x1b0: {  	v16 =	vld.idx.msk [tilespmem:v16+s14+$0x0], $0xffff  }
0x1b1: {  	v17 =	vld.idx.msk [tilespmem:v17+s14+$0x0], $0xffff  }
0x1b2: {  	v10 =	vld.idx.msk [tilespmem:v10+s14+$0x0], $0xffff;
	[tilespmem:s0+$0xFFFFFFB0] =	vst v12  }
0x1b3: {  	v19 =	vor.u32 v45, v7;
	v14 =	vor.u32 v0, v8;
	v0 =	vld [tilespmem:$0x1FEA0];
	[tilespmem:s0+$0xFFFFFF20] =	vst v11  }
0x1b4: {  	[tilespmem:s0+$0xFFFFFC20] =	vst v15  }
0x1b5: {  	v18 =	vor.u32 v56, v4;
	[tilespmem:s0+$0xFFFFFCB0] =	vst v13  }
0x1b6: {  	v20 =	vor.u32 v50, v3;
	[tilespmem:s0+$0xFFFFFD30] =	vst v16  }
0x1b7: {  	v21 =	vor.u32 v28, v2;
	[tilespmem:s0+$0xFFFFFDB0] =	vst v17  }
0x1b8: {  	v11 =	vld.idx.msk [tilespmem:v19+s14+$0x0], $0xffff;
	[tilespmem:s0+$0xFFFFFE30] =	vst v10  }
0x1b9: {  	v12 =	vor.u32 v0, v6;
	v0 =	vld [tilespmem:$0x1FEF0]  }
0x1ba: {  	v18 =	vld.idx.msk [tilespmem:v18+s14+$0x0], $0xffff  }
0x1bb: {  	v19 =	vld.idx.msk [tilespmem:v20+s14+$0x0], $0xffff  }
0x1bc: {  	v20 =	vld.idx.msk [tilespmem:v21+s14+$0x0], $0xffff  }
0x1bd: {  	v13 =	vor.u32 v36, v7;
	v21 =	vld.idx.msk [tilespmem:v22+s14+$0x0], $0xffff;
	[tilespmem:s0+$0xFFFFFFC0] =	vst v11  }
0x1be: {  	v10 =	vor.u32 v0, v9;
	v0 =	vld [tilespmem:$0x1FEC0]  }
0x1bf: {  	v15 =	vor.u32 v61, v5;
	[tilespmem:s0+$0xFFFFFEB0] =	vst v18  }
0x1c0: {  	v16 =	vor.u32 v58, v4;
	v14 =	vld.idx.msk [tilespmem:v14+s14+$0x0], $0xffff;
	[tilespmem:s0+$0xFFFFFF30] =	vst v19  }
0x1c1: {  	v17 =	vor.u32 v51, v3;
	v12 =	vld.idx.msk [tilespmem:v12+s14+$0x0], $0xffff;
	[tilespmem:s0+$0xFFFFFC30] =	vst v20  }
0x1c2: {  	v22 =	vor.u32 v29, v2;
	v13 =	vld.idx.msk [tilespmem:v13+s14+$0x0], $0xffff;
	[tilespmem:s0+$0xFFFFFCC0] =	vst v21  }
0x1c3: {  	v11 =	vor.u32 v0, v8;
	v0 =	vld [tilespmem:$0x1FE90]  }
0x1c4: {  	v15 =	vld.idx.msk [tilespmem:v15+s14+$0x0], $0xffff  }
0x1c5: {  	v16 =	vld.idx.msk [tilespmem:v16+s14+$0x0], $0xffff;
	[tilespmem:s0+$0xFFFFFD40] =	vst v14  }
0x1c6: {  	v17 =	vld.idx.msk [tilespmem:v17+s14+$0x0], $0xffff;
	[tilespmem:s0+$0xFFFFFDC0] =	vst v12  }
0x1c7: {  	v20 =	vld.idx.msk [tilespmem:v22+s14+$0x0], $0xffff;
	[tilespmem:s0+$0xFFFFFFD0] =	vst v13  }
0x1c8: {  	v21 =	vor.u32 v0, v5;
	v0 =	vld [tilespmem:$0x1FF20]  }
0x1c9: {  	[tilespmem:s0+$0xFFFFFE40] =	vst v15  }
0x1ca: {  	[tilespmem:s0+$0xFFFFFEC0] =	vst v16  }
0x1cb: {  	[tilespmem:s0+$0xFFFFFF40] =	vst v17  }
0x1cc: {  	v19 =	vor.u32 v38, v7;
	v10 =	vld.idx.msk [tilespmem:v10+s14+$0x0], $0xffff;
	[tilespmem:s0+$0xFFFFFC40] =	vst v20  }
0x1cd: {  	v13 =	vor.u32 v0, v9;
	v0 =	vld [tilespmem:$0x1FE60];
	_ =	sdelay $0x1  }
0x1ce: {  	v18 =	vor.u32 v25, v6  }
0x1cf: {  	v11 =	vld.idx.msk [tilespmem:v11+s14+$0x0], $0xffff  }
0x1d0: {  	v14 =	vor.u32 v37, v4;
	v15 =	vld.idx.msk [tilespmem:v19+s14+$0x0], $0xffff;
	[tilespmem:s0+$0xFFFFFCD0] =	vst v10  }
0x1d1: {  	v17 =	vor.u32 v0, v6;
	v0 =	vld [tilespmem:$0x1FE50];
	_ =	sdelay $0x1  }
0x1d2: {  	v18 =	vld.idx.msk [tilespmem:v18+s14+$0x0], $0xffff  }
0x1d3: {  	v21 =	vld.idx.msk [tilespmem:v21+s14+$0x0], $0xffff;
	[tilespmem:s0+$0xFFFFFD50] =	vst v11  }
0x1d4: {  	v12 =	vor.u32 v52, v3;
	v14 =	vld.idx.msk [tilespmem:v14+s14+$0x0], $0xffff;
	[tilespmem:s0+$0xFFFFFFE0] =	vst v15  }
0x1d5: {  	v10 =	vor.u32 v0, v5;
	v0 =	vld [tilespmem:$0x1FF60]  }
0x1d6: {  	v22 =	vor.u32 v30, v2  }
0x1d7: {  	[tilespmem:s0+$0xFFFFFDD0] =	vst v18  }
0x1d8: {  	[tilespmem:s0+$0xFFFFFE50] =	vst v21  }
0x1d9: {  	v12 =	vld.idx.msk [tilespmem:v12+s14+$0x0], $0xffff;
	[tilespmem:s0+$0xFFFFFED0] =	vst v14  }
0x1da: {  	v15 =	vor.u32 v0, v2;
	v0 =	vld [tilespmem:$0x1FDD0]  }
0x1db: {  	v20 =	vld.idx.msk [tilespmem:v22+s14+$0x0], $0xffff;
	v11 =	vor.u32 v57, v4;
	_ =	sdelay $0x1  }
0x1dc: {  	v13 =	vld.idx.msk [tilespmem:v13+s14+$0x0], $0xffff  }
0x1dd: {  	v21 =	vld.idx.msk [tilespmem:v10+s14+$0x0], $0xffff  }
0x1de: {  	v10 =	vor.u32 v0, v7;
	v0 =	vld [tilespmem:$0x1FFA0];
	[tilespmem:s0+$0xFFFFFF50] =	vst v12  }
0x1df: {  	v16 =	vor.u32 v47, v7;
	v26 =	vld.idx.msk [tilespmem:v11+s14+$0x0], $0xffff;
	[tilespmem:s0+$0xFFFFFC50] =	vst v20  }
0x1e0: {  	v11 =	vld [tilespmem:$0x1FF80]  }
0x1e1: {  	v19 =	vor.u32 v23, v8;
	_ =	sdelay $0x1  }
0x1e2: {  	v22 =	vor.u32 v41, v3  }
0x1e3: {  	v16 =	vld.idx.msk [tilespmem:v16+s14+$0x0], $0xffff;
	v18 =	vor.u32 v48, v9;
	[tilespmem:s0+$0xFFFFFCE0] =	vst v13  }
0x1e4: {  	v14 =	vor.u32 v0, v8;
	v0 =	vmovc v32;
	v32 =	vmov v27;
	v27 =	vor.u32 v11, v6;
	v11 =	vld [tilespmem:$0x1FF70]  }
0x1e5: {  	v61 =	vmovc v47;
	v47 =	vmov v43;
	v43 =	vmov v41;
	v41 =	vmov v52;
	v19 =	vld.idx.msk [tilespmem:v19+s14+$0x0], $0xffff  }
0x1e6: {  	v52 =	vmovc v51;
	v51 =	vmovc v50;
	v50 =	vmov v49;
	v49 =	vmov v40;
	v40 =	vmov v57;
	v23 =	vld.idx.msk [tilespmem:v17+s14+$0x0], $0xffff  }
0x1e7: {  	v57 =	vmovc v37;
	v37 =	vmovc v58;
	v58 =	vmov v56;
	v56 =	vmov v33;
	v33 =	vmov v28;
	v28 =	vld.idx.msk [tilespmem:v22+s14+$0x0], $0xffff  }
0x1e8: {  	v12 =	vld.idx.msk [tilespmem:v15+s14+$0x0], $0xffff  }
0x1e9: {  	[tilespmem:s0+$0xFFFFFFF0] =	vst v16;
	v15 =	vor.u32 v11, v5;
	v11 =	vld.idx.msk [tilespmem:v18+s14+$0x0], $0xffff  }
0x1ea: {  	[tilespmem:s0+$0xFFFFFD60] =	vst v19;
	v18 =	vld.idx.msk [tilespmem:v10+s14+$0x0], $0xffff  }
0x1eb: {  	v10 =	vld [tilespmem:$0x1FFB0];
	[tilespmem:s0+$0xFFFFFDE0] =	vst v23  }
0x1ec: {  	[tilespmem:s0+$0xFFFFFE60] =	vst v21  }
0x1ed: {  	v34 =	vmov v29;
	s26 =	simm.s32 $0x8;
	s10 =	simm.s32 $0x9;
	[tilespmem:s0+$0xFFFFFEE0] =	vst v26  }
0x1ee: {  	v29 =	vor.u32 v63, v4;
	v48 =	vmovc v38;
	v38 =	vmovc v36;
	v7 =	vmov s26;
	v16 =	vmov s10;
	[tilespmem:s0+$0xFFFFFF60] =	vst v28  }
0x1ef: {  	v36 =	vmovc v45;
	v45 =	vmovc v39;
	v39 =	vmov v44;
	v7 =	vshrl.u32 v7, $0x3;
	v22 =	vshrl.u32 v16, $0x3;
	v16 =	vld [tilespmem:$0x1FFD0]  }
0x1f0: {  	v44 =	vmovc v55;
	v9 =	vor.u32 v46, v9;
	v17 =	vor.u32 v55, v3;
	s26 =	simm.s32 $0xB;
	v7 =	vshll.u32 v7, v1  }
0x1f1: {  	s25 =	simm.s32 $0xA;
	v55 =	vmovc v63;
	v63 =	vmovc v35;
	v35 =	vmov v30;
	v30 =	vmov s26;
	s26 =	simm.s32 $0xE;
	v7 =	vbroadcast v7, $0x0;
	s10 =	simm.s32 $0xC;
	v13 =	vld.idx.msk [tilespmem:v14+s14+$0x0], $0xffff  }
0x1f2: {  	v19 =	vmov s25;
	v25 =	vmov s10;
	v23 =	vmov s26;
	v14 =	vld.idx.msk [tilespmem:v27+s14+$0x0], $0xffff  }
0x1f3: {  	s25 =	simm.s32 $0xD;
	v21 =	vshrl.u32 v19, $0x3;
	v19 =	vshrl.u32 v30, $0x3;
	v20 =	vor.u32 v10, v2;
	v15 =	vld.idx.msk [tilespmem:v15+s14+$0x0], $0xffff  }
0x1f4: {  	s3 =	simm.s32 $0x10;
	s10 =	simm.s32 $0xF;
	v10 =	vor.u32 v24, v7;
	v24 =	vmov s25;
	v8 =	vor.u32 v16, v8;
	v16 =	vld.idx.msk [tilespmem:v29+s14+$0x0], $0xffff  }
.LBB2_5:
0x1f5: {  	_ =	sdelay $0x1  }
0x1f6: {  	[tilespmem:s0+$0xFFFFFCF0] =	vst v11  }
0x1f7: {  	v6 =	vor.u32 v54, v6;
	v11 =	vshll.u32 v22, v1;
	v22 =	vld.idx.msk [tilespmem:v9+s14+$0x0], $0xffff  }
0x1f8: {  	v5 =	vor.u32 v0, v5;
	[tilespmem:s0+$0xFFFFFC60] =	vst v12;
	v12 =	vld.idx.msk [tilespmem:v17+s14+$0x0], $0xffff  }
0x1f9: {  	[tilespmem:s0+$0x0] =	vst v18;
	v4 =	vor.u32 v53, v4;
	v20 =	vld.idx.msk [tilespmem:v20+s14+$0x0], $0xffff  }
0x1fa: {  	v3 =	vor.u32 v42, v3;
	[tilespmem:s0+$0xFFFFFD70] =	vst v13;
	v18 =	vld.idx.msk [tilespmem:v10+s14+$0x0], $0xffff  }
0x1fb: {  	v25 =	vshrl.u32 v25, $0x3;
	v9 =	vbroadcast v11, $0x0;
	v11 =	vshll.u32 v21, v1;
	[tilespmem:s0+$0xFFFFFDF0] =	vst v14;
	v13 =	vld.idx.msk [tilespmem:v8+s14+$0x0], $0xffff  }
0x1fc: {  	v17 =	vshrl.u32 v24, $0x3;
	[tilespmem:s0+$0xFFFFFE70] =	vst v15;
	v8 =	vbroadcast v11, $0x0;
	v11 =	vshll.u32 v19, v1;
	v19 =	vld.idx.msk [tilespmem:v6+s14+$0x0], $0xffff  }
0x1fd: {  	[tilespmem:s0+$0xFFFFFEF0] =	vst v16;
	v15 =	vor.u32 v59, v9;
	v21 =	vld.idx.msk [tilespmem:v5+s14+$0x0], $0xffff;
	v6 =	vbroadcast v11, $0x0;
	v11 =	vshll.u32 v25, v1  }
0x1fe: {  	v26 =	vmov s10;
	v5 =	vbroadcast v11, $0x0;
	v11 =	vshll.u32 v17, v1;
	v17 =	vld.idx.msk [tilespmem:v4+s14+$0x0], $0xffff;
	[tilespmem:s0+$0xFFFFFF70] =	vst v12  }
0x1ff: {  	v24 =	vshrl.u32 v26, $0x3;
	v16 =	vor.u32 v60, v8;
	[tilespmem:s0+$0xFFFFFC70] =	vst v20;
	v20 =	vld.idx.msk [tilespmem:v3+s14+$0x0], $0xffff  }
0x200: {  	v10 =	vshll.u32 v24, v1;
	v3 =	vld [tilespmem:$0x1FF90]  }
0x201: {  	v2 =	vor.u32 v31, v2;
	v10 =	vbroadcast v10, $0x0;
	[tilespmem:s0+$0xFFFFFD00] =	vst v22  }
0x202: {  	[tilespmem:s0+$0xFFFFFD80] =	vst v13;
	v13 =	vld.idx.msk [tilespmem:v15+s14+$0x0], $0xffff  }
0x203: {  	v14 =	vor.u32 v47, v10;
	[tilespmem:s0+$0xFFFFFE80] =	vst v21;
	v21 =	vld [tilespmem:$0x1FE40]  }
0x204: {  	v23 =	vshrl.u32 v23, $0x3;
	v4 =	vbroadcast v11, $0x0;
	v12 =	vor.u32 v62, v6;
	v16 =	vld.idx.msk [tilespmem:v16+s14+$0x0], $0xffff  }
0x205: {  	v11 =	vshll.u32 v23, v1;
	[tilespmem:s0+$0xFFFFFF00] =	vst v17;
	v17 =	vld [tilespmem:$0x1FE30];
	v23 =	vor.u32 v3, v5  }
0x206: {  	v3 =	vbroadcast v11, $0x0;
	v11 =	vld.idx.msk [tilespmem:v2+s14+$0x0], $0xffff;
	v2 =	vmov v7;
	v7 =	vor.u32 v56, v4  }
0x207: {  	[tilespmem:s0+$0xFFFFFF80] =	vst v20;
	v20 =	vld [tilespmem:$0x1FE20]  }
0x208: {  	[tilespmem:s0+$0xFFFFFE00] =	vst v19;
	v14 =	vld.idx.msk [tilespmem:v14+s14+$0x0], $0xffff;
	v15 =	vor.u32 v49, v3  }
0x209: {  	v19 =	vor.u32 v39, v10;
	v12 =	vld.idx.msk [tilespmem:v12+s14+$0x0], $0xffff  }
0x20a: {  	v21 =	vor.u32 v21, v9;
	v22 =	vld.idx.msk [tilespmem:v23+s14+$0x0], $0xffff  }
0x20b: {  	v17 =	vor.u32 v17, v8;
	v7 =	vld.idx.msk [tilespmem:v7+s14+$0x0], $0xffff  }
0x20c: {  	v20 =	vor.u32 v20, v6;
	[tilespmem:s0+$0xFFFFFC80] =	vst v11;
	s0 =	sadd.s32 $0x400, s0;
	v11 =	vld [tilespmem:$0x1FE10]  }
0x20d: {  	[tilespmem:s0+$0xFFFFFF90] =	vst v14;
	v15 =	vld.idx.msk [tilespmem:v15+s14+$0x0], $0xffff  }
0x20e: {  	[tilespmem:s0+$0xFFFFFC90] =	vst v13;
	v14 =	vld.idx.msk [tilespmem:v19+s14+$0x0], $0xffff  }
0x20f: {  	v13 =	vor.u32 v63, v4;
	[tilespmem:s0+$0xFFFFFD10] =	vst v16;
	v19 =	vld.idx.msk [tilespmem:v21+s14+$0x0], $0xffff  }
0x210: {  	[tilespmem:s0+$0xFFFFFD90] =	vst v12;
	v17 =	vld.idx.msk [tilespmem:v17+s14+$0x0], $0xffff  }
0x211: {  	v20 =	vld.idx.msk [tilespmem:v20+s14+$0x0], $0xffff  }
0x212: {  	v21 =	vor.u32 v32, v2;
	[tilespmem:s0+$0xFFFFFE10] =	vst v22;
	v22 =	vld [tilespmem:$0x1FF50]  }
0x213: {  	v12 =	vor.u32 v45, v10;
	[tilespmem:s0+$0xFFFFFE90] =	vst v7;
	v7 =	vld [tilespmem:$0x1FF40]  }
0x214: {  	v16 =	vor.u32 v50, v3;
	[tilespmem:s0+$0xFFFFFC10] =	vst v18;
	v13 =	vld.idx.msk [tilespmem:v13+s14+$0x0], $0xffff  }
0x215: {  	v11 =	vor.u32 v11, v5;
	[tilespmem:s0+$0xFFFFFF10] =	vst v15;
	v15 =	vld [tilespmem:$0x1FF30]  }
0x216: {  	[tilespmem:s0+$0xFFFFFFA0] =	vst v14;
	v14 =	vld [tilespmem:$0x1FEE0]  }
0x217: {  	v18 =	vld.idx.msk [tilespmem:v21+s14+$0x0], $0xffff;
	[tilespmem:s0+$0xFFFFFCA0] =	vst v19;
	v19 =	vor.u32 v58, v4  }
0x218: {  	v12 =	vld.idx.msk [tilespmem:v12+s14+$0x0], $0xffff  }
0x219: {  	[tilespmem:s0+$0xFFFFFD20] =	vst v17;
	v17 =	vor.u32 v36, v10;
	v16 =	vld.idx.msk [tilespmem:v16+s14+$0x0], $0xffff  }
0x21a: {  	v11 =	vld.idx.msk [tilespmem:v11+s14+$0x0], $0xffff  }
0x21b: {  	v22 =	vor.u32 v22, v9;
	[tilespmem:s0+$0xFFFFFEA0] =	vst v13;
	v13 =	vld [tilespmem:$0x1FEB0]  }
0x21c: {  	v7 =	vor.u32 v7, v8;
	v19 =	vld.idx.msk [tilespmem:v19+s14+$0x0], $0xffff  }
0x21d: {  	[tilespmem:s0+$0xFFFFFFB0] =	vst v12;
	v12 =	vld [tilespmem:$0x1FEA0]  }
0x21e: {  	v15 =	vor.u32 v15, v6;
	[tilespmem:s0+$0xFFFFFF20] =	vst v16;
	v16 =	vld.idx.msk [tilespmem:v17+s14+$0x0], $0xffff  }
0x21f: {  	v14 =	vor.u32 v14, v5;
	v17 =	vld [tilespmem:$0x1FE80]  }
0x220: {  	[tilespmem:s0+$0xFFFFFDA0] =	vst v20;
	v20 =	vor.u32 v51, v3;
	v21 =	vld.idx.msk [tilespmem:v22+s14+$0x0], $0xffff  }
0x221: {  	v7 =	vld.idx.msk [tilespmem:v7+s14+$0x0], $0xffff  }
0x222: {  	v22 =	vor.u32 v33, v2;
	[tilespmem:s0+$0xFFFFFE20] =	vst v11;
	v11 =	vld [tilespmem:$0x1FF10]  }
0x223: {  	v13 =	vor.u32 v13, v8;
	v15 =	vld.idx.msk [tilespmem:v15+s14+$0x0], $0xffff  }
0x224: {  	[tilespmem:s0+$0xFFFFFC20] =	vst v18;
	v14 =	vld.idx.msk [tilespmem:v14+s14+$0x0], $0xffff  }
0x225: {  	v18 =	vld.idx.msk [tilespmem:v20+s14+$0x0], $0xffff;
	v12 =	vor.u32 v12, v6;
	[tilespmem:s0+$0xFFFFFFC0] =	vst v16  }
0x226: {  	v17 =	vor.u32 v17, v5;
	v16 =	vld [tilespmem:$0x1FEC0];
	[tilespmem:s0+$0xFFFFFCB0] =	vst v21  }
0x227: {  	v11 =	vor.u32 v11, v9;
	v20 =	vld.idx.msk [tilespmem:v22+s14+$0x0], $0xffff;
	[tilespmem:s0+$0xFFFFFD30] =	vst v7  }
0x228: {  	v21 =	vor.u32 v38, v10;
	v13 =	vld.idx.msk [tilespmem:v13+s14+$0x0], $0xffff;
	[tilespmem:s0+$0xFFFFFDB0] =	vst v15  }
0x229: {  	[tilespmem:s0+$0xFFFFFE30] =	vst v14;
	v14 =	vld [tilespmem:$0x1FEF0]  }
0x22a: {  	v7 =	vor.u32 v37, v4;
	v12 =	vld.idx.msk [tilespmem:v12+s14+$0x0], $0xffff  }
0x22b: {  	v22 =	vor.u32 v34, v2;
	v17 =	vld.idx.msk [tilespmem:v17+s14+$0x0], $0xffff  }
0x22c: {  	v15 =	vor.u32 v52, v3;
	v11 =	vld.idx.msk [tilespmem:v11+s14+$0x0], $0xffff  }
0x22d: {  	[tilespmem:s0+$0xFFFFFEB0] =	vst v19;
	v16 =	vor.u32 v16, v8;
	v19 =	vld.idx.msk [tilespmem:v21+s14+$0x0], $0xffff  }
0x22e: {  	v21 =	vld [tilespmem:$0x1FE70]  }
0x22f: {  	v7 =	vld.idx.msk [tilespmem:v7+s14+$0x0], $0xffff;
	[tilespmem:s0+$0xFFFFFC30] =	vst v20  }
0x230: {  	[tilespmem:s0+$0xFFFFFF30] =	vst v18;
	v18 =	vor.u32 v48, v10;
	v20 =	vld.idx.msk [tilespmem:v22+s14+$0x0], $0xffff  }
0x231: {  	[tilespmem:s0+$0xFFFFFD40] =	vst v13;
	v15 =	vld.idx.msk [tilespmem:v15+s14+$0x0], $0xffff  }
0x232: {  	v13 =	vor.u32 v57, v4;
	[tilespmem:s0+$0xFFFFFDC0] =	vst v12;
	v16 =	vld.idx.msk [tilespmem:v16+s14+$0x0], $0xffff  }
0x233: {  	v14 =	vor.u32 v14, v9;
	[tilespmem:s0+$0xFFFFFCC0] =	vst v11;
	v11 =	vld [tilespmem:$0x1FE90]  }
0x234: {  	[tilespmem:s0+$0xFFFFFFD0] =	vst v19;
	v19 =	vld [tilespmem:$0x1FF20]  }
0x235: {  	v22 =	vor.u32 v35, v2;
	[tilespmem:s0+$0xFFFFFE40] =	vst v17;
	v17 =	vld.idx.msk [tilespmem:v18+s14+$0x0], $0xffff  }
0x236: {  	v12 =	vor.u32 v41, v3;
	[tilespmem:s0+$0xFFFFFEC0] =	vst v7;
	v18 =	vld [tilespmem:$0x1FED0]  }
0x237: {  	v21 =	vor.u32 v21, v6;
	v7 =	vld.idx.msk [tilespmem:v13+s14+$0x0], $0xffff  }
0x238: {  	[tilespmem:s0+$0xFFFFFC40] =	vst v20;
	v14 =	vld.idx.msk [tilespmem:v14+s14+$0x0], $0xffff  }
0x239: {  	[tilespmem:s0+$0xFFFFFF40] =	vst v15;
	v15 =	vld [tilespmem:$0x1FE60]  }
0x23a: {  	v20 =	vld.idx.msk [tilespmem:v22+s14+$0x0], $0xffff  }
0x23b: {  	v13 =	vor.u32 v61, v10;
	v12 =	vld.idx.msk [tilespmem:v12+s14+$0x0], $0xffff  }
0x23c: {  	[tilespmem:s0+$0xFFFFFD50] =	vst v16;
	v11 =	vor.u32 v11, v5;
	v21 =	vld.idx.msk [tilespmem:v21+s14+$0x0], $0xffff  }
0x23d: {  	v16 =	vor.u32 v40, v4;
	[tilespmem:s0+$0xFFFFFFE0] =	vst v17;
	v17 =	vld [tilespmem:$0x1FF60]  }
0x23e: {  	v19 =	vor.u32 v19, v9;
	[tilespmem:s0+$0xFFFFFED0] =	vst v7;
	v7 =	vld [tilespmem:$0x1FDD0]  }
0x23f: {  	v18 =	vor.u32 v18, v8;
	[tilespmem:s0+$0xFFFFFCD0] =	vst v14;
	v14 =	vld [tilespmem:$0x1FE50]  }
0x240: {  	v13 =	vld.idx.msk [tilespmem:v13+s14+$0x0], $0xffff  }
0x241: {  	v11 =	vld.idx.msk [tilespmem:v11+s14+$0x0], $0xffff  }
0x242: {  	v16 =	vld.idx.msk [tilespmem:v16+s14+$0x0], $0xffff  }
0x243: {  	v15 =	vor.u32 v15, v6;
	v19 =	vld.idx.msk [tilespmem:v19+s14+$0x0], $0xffff  }
0x244: {  	v18 =	vld.idx.msk [tilespmem:v18+s14+$0x0], $0xffff;
	v10 =	vor.u32 v7, v10  }
0x245: {  	[tilespmem:s0+$0xFFFFFDD0] =	vst v21;
	v21 =	vld [tilespmem:$0x1FF00]  }
0x246: {  	[tilespmem:s0+$0xFFFFFE50] =	vst v11;
	v11 =	vld [tilespmem:$0x1FF80]  }
0x247: {  	v7 =	vld [tilespmem:$0x1FFA0]  }
0x248: {  	v14 =	vor.u32 v14, v5;
	v15 =	vld.idx.msk [tilespmem:v15+s14+$0x0], $0xffff;
	[tilespmem:s0+$0xFFFFFFF0] =	vst v13  }
0x249: {  	v22 =	vor.u32 v43, v3;
	[tilespmem:s0+$0xFFFFFD60] =	vst v18;
	v18 =	vld.idx.msk [tilespmem:v10+s14+$0x0], $0xffff  }
0x24a: {  	v10 =	vld [tilespmem:$0x1FFB0]  }
0x24b: {  	v17 =	vor.u32 v17, v2;
	v26 =	vor.u32 v11, v6;
	v11 =	vld [tilespmem:$0x1FF70]  }
0x24c: {  	v28 =	vor.u32 v55, v4;
	[tilespmem:s0+$0xFFFFFEE0] =	vst v16;
	v16 =	vld [tilespmem:$0x1FFD0]  }
0x24d: {  	[tilespmem:s0+$0xFFFFFF50] =	vst v12;
	v23 =	vld.idx.msk [tilespmem:v14+s14+$0x0], $0xffff;
	v14 =	vor.u32 v7, v8  }
0x24e: {  	v27 =	vld.idx.msk [tilespmem:v22+s14+$0x0], $0xffff;
	v21 =	vor.u32 v21, v9  }
0x24f: {  	[tilespmem:s0+$0xFFFFFC50] =	vst v20;
	v7 =	vmov s3;
	v20 =	vor.u32 v10, v2;
	v10 =	vld [tilespmem:$0x1FFC0]  }
0x250: {  	p0 =	slt.u32 s3, $0x18;
	s26 =	sadd.s32 $0x2, s3;
	[tilespmem:s0+$0xFFFFFCE0] =	vst v19;
	v12 =	vld.idx.msk [tilespmem:v17+s14+$0x0], $0xffff;
	v7 =	vshrl.u32 v7, $0x3;
	v19 =	vor.u32 v11, v5  }
.Ltmp1:
0x251: {  	v29 =	vmov s26;
	s26 =	sadd.s32 $0x5, s3;
	v7 =	vshll.u32 v7, v1;
	v8 =	vor.u32 v16, v8;
	v16 =	vld.idx.msk [tilespmem:v28+s14+$0x0], $0xffff;
	(pc) =	sbr.rel @p0 .LBB2_5-.Ltmp1, $4  }
0x252: {  	s25 =	sadd.s32 $0x1, s3;
	v24 =	vmov s26;
	s26 =	sadd.s32 $0x6, s3;
	v9 =	vor.u32 v46, v9;
	[tilespmem:s0+$0xFFFFFDE0] =	vst v15;
	v7 =	vbroadcast v7, $0x0;
	v13 =	vld.idx.msk [tilespmem:v14+s14+$0x0], $0xffff  }
0x253: {  	v17 =	vor.u32 v44, v3;
	[tilespmem:s0+$0xFFFFFE60] =	vst v23;
	v23 =	vmov s26;
	v11 =	vld.idx.msk [tilespmem:v21+s14+$0x0], $0xffff;
	v21 =	vmov s25;
	s25 =	sadd.s32 $0x3, s3  }
0x254: {  	v14 =	vld.idx.msk [tilespmem:v26+s14+$0x0], $0xffff;
	v30 =	vmov s25;
	s25 =	sadd.s32 $0x4, s3;
	v10 =	vor.u32 v10, v7;
	v22 =	vshrl.u32 v21, $0x3  }
0x255: {  	s10 =	sadd.s32 $0x7, s3;
	[tilespmem:s0+$0xFFFFFF60] =	vst v27;
	v21 =	vshrl.u32 v29, $0x3;
	s3 =	sadd.s32 $0x8, s3;
	v25 =	vmov s25;
	v15 =	vld.idx.msk [tilespmem:v19+s14+$0x0], $0xffff;
	v19 =	vshrl.u32 v30, $0x3  }
0x256: {  	_ =	sdelay $0x1  }
0x257: {  	[tilespmem:s0+$0xFFFFFC60] =	vst v12  }
0x258: {  	[tilespmem:s0+$0x0] =	vst v18  }
0x259: {  	v6 =	vor.u32 v54, v6;
	v17 =	vld.idx.msk [tilespmem:v17+s14+$0x0], $0xffff;
	[tilespmem:s0+$0xFFFFFEF0] =	vst v16  }
0x25a: {  	v18 =	vmov s10;
	v27 =	vmov v54;
	v5 =	vor.u32 v0, v5;
	[tilespmem:s0+$0xFFFFFD70] =	vst v13;
	v13 =	vld.idx.msk [tilespmem:v20+s14+$0x0], $0xffff  }
0x25b: {  	v54 =	vshll.u32 v22, v1;
	v20 =	vor.u32 v53, v4;
	[tilespmem:s0+$0xFFFFFCF0] =	vst v11;
	v11 =	vshrl.u32 v18, $0x3;
	v8 =	vld.idx.msk [tilespmem:v8+s14+$0x0], $0xffff  }
0x25c: {  	v11 =	vshll.u32 v11, v1;
	[tilespmem:s0+$0xFFFFFDF0] =	vst v14;
	v9 =	vld.idx.msk [tilespmem:v9+s14+$0x0], $0xffff;
	v14 =	vor.u32 v42, v3;
	v3 =	vbroadcast v54, $0x0  }
0x25d: {  	v26 =	vmovc v46;
	v46 =	vshll.u32 v21, v1;
	v54 =	vshll.u32 v19, v1;
	v11 =	vbroadcast v11, $0x0;
	[tilespmem:s0+$0xFFFFFE70] =	vst v15  }
0x25e: {  	v12 =	vshrl.u32 v25, $0x3;
	v15 =	vor.u32 v31, v2;
	v19 =	vld.idx.msk [tilespmem:v6+s14+$0x0], $0xffff;
	[tilespmem:s0+$0xFFFFFF70] =	vst v17;
	v17 =	vor.u32 v59, v3  }
0x25f: {  	v59 =	vshll.u32 v12, v1;
	v12 =	vld.idx.msk [tilespmem:v5+s14+$0x0], $0xffff;
	v16 =	vor.u32 v47, v11;
	[tilespmem:s0+$0xFFFFFC70] =	vst v13  }
0x260: {  	v2 =	vbroadcast v46, $0x0;
	v20 =	vld.idx.msk [tilespmem:v20+s14+$0x0], $0xffff;
	[tilespmem:s0+$0xFFFFFD80] =	vst v8  }
0x261: {  	v4 =	vbroadcast v54, $0x0;
	[tilespmem:s0+$0xFFFFFD00] =	vst v9;
	v14 =	vld.idx.msk [tilespmem:v14+s14+$0x0], $0xffff  }
0x262: {  	v13 =	vor.u32 v60, v2;
	v8 =	vld [tilespmem:$0x1FF90]  }
0x263: {  	v9 =	vor.u32 v62, v4;
	v15 =	vld.idx.msk [tilespmem:v15+s14+$0x0], $0xffff  }
0x264: {  	[tilespmem:s0+$0xFFFFFE00] =	vst v19;
	v16 =	vld.idx.msk [tilespmem:v16+s14+$0x0], $0xffff  }
0x265: {  	v24 =	vshrl.u32 v24, $0x3;
	[tilespmem:s0+$0xFFFFFE80] =	vst v12  }
0x266: {  	v46 =	vshll.u32 v24, v1;
	v5 =	vbroadcast v59, $0x0;
	v17 =	vld.idx.msk [tilespmem:v17+s14+$0x0], $0xffff;
	v19 =	vor.u32 v39, v11;
	[tilespmem:s0+$0xFFFFFF00] =	vst v20  }
0x267: {  	v18 =	vshrl.u32 v23, $0x3;
	v6 =	vbroadcast v46, $0x0;
	v13 =	vld.idx.msk [tilespmem:v13+s14+$0x0], $0xffff;
	[tilespmem:s0+$0xFFFFFF80] =	vst v14  }
0x268: {  	s10 =	sadd.s32 $0x400, s0;
	v18 =	vshll.u32 v18, v1;
	v9 =	vld.idx.msk [tilespmem:v9+s14+$0x0], $0xffff;
	v21 =	vor.u32 v8, v5;
	[tilespmem:s0+$0xFFFFFC80] =	vst v15  }
0x269: {  	v8 =	vbroadcast v18, $0x0;
	v18 =	vor.u32 v56, v6;
	v14 =	vld [tilespmem:$0x1FE40];
	[tilespmem:s10+$0xFFFFFF90] =	vst v16  }
0x26a: {  	v16 =	vld [tilespmem:$0x1FE30]  }
0x26b: {  	v12 =	vor.u32 v49, v8;
	[tilespmem:s10+$0xFFFFFC90] =	vst v17;
	v19 =	vld.idx.msk [tilespmem:v19+s14+$0x0], $0xffff  }
0x26c: {  	v17 =	vld [tilespmem:$0x1FE20]  }
0x26d: {  	v15 =	vld.idx.msk [tilespmem:v21+s14+$0x0], $0xffff  }
0x26e: {  	[tilespmem:s10+$0xFFFFFD10] =	vst v13;
	v18 =	vld.idx.msk [tilespmem:v18+s14+$0x0], $0xffff;
	v14 =	vor.u32 v14, v3  }
0x26f: {  	v13 =	vld [tilespmem:$0x1FE10];
	[tilespmem:s10+$0xFFFFFD90] =	vst v9;
	v9 =	vor.u32 v63, v6  }
0x270: {  	v12 =	vld.idx.msk [tilespmem:v12+s14+$0x0], $0xffff;
	v16 =	vor.u32 v16, v2;
	_ =	sdelay $0x1  }
0x271: {  	v10 =	vld.idx.msk [tilespmem:v10+s14+$0x0], $0xffff;
	[tilespmem:s10+$0xFFFFFFA0] =	vst v19;
	v17 =	vor.u32 v17, v4  }
0x272: {  	[tilespmem:s10+$0xFFFFFE90] =	vst v18;
	v14 =	vld.idx.msk [tilespmem:v14+s14+$0x0], $0xffff  }
0x273: {  	v13 =	vor.u32 v13, v5;
	[tilespmem:s10+$0xFFFFFE10] =	vst v15;
	v9 =	vld.idx.msk [tilespmem:v9+s14+$0x0], $0xffff  }
0x274: {  	v15 =	vor.u32 v45, v11;
	[tilespmem:s10+$0xFFFFFF10] =	vst v12;
	v16 =	vld.idx.msk [tilespmem:v16+s14+$0x0], $0xffff  }
0x275: {  	v18 =	vor.u32 v50, v8;
	v21 =	vld [tilespmem:$0x1FF50]  }
0x276: {  	[tilespmem:s10+$0xFFFFFC10] =	vst v10;
	v17 =	vld.idx.msk [tilespmem:v17+s14+$0x0], $0xffff  }
0x277: {  	v10 =	vld [tilespmem:$0x1FF40]  }
0x278: {  	v12 =	vor.u32 v32, v7;
	v13 =	vld.idx.msk [tilespmem:v13+s14+$0x0], $0xffff  }
0x279: {  	v15 =	vld.idx.msk [tilespmem:v15+s14+$0x0], $0xffff  }
0x27a: {  	v18 =	vld.idx.msk [tilespmem:v18+s14+$0x0], $0xffff;
	[tilespmem:s10+$0xFFFFFCA0] =	vst v14  }
0x27b: {  	v14 =	vld [tilespmem:$0x1FF30];
	[tilespmem:s10+$0xFFFFFD20] =	vst v16  }
0x27c: {  	v16 =	vld [tilespmem:$0x1FEE0];
	[tilespmem:s10+$0xFFFFFDA0] =	vst v17  }
0x27d: {  	v12 =	vld.idx.msk [tilespmem:v12+s14+$0x0], $0xffff;
	v19 =	vor.u32 v21, v3;
	[tilespmem:s10+$0xFFFFFEA0] =	vst v9  }
0x27e: {  	[tilespmem:s10+$0xFFFFFE20] =	vst v13  }
0x27f: {  	v10 =	vor.u32 v10, v2;
	[tilespmem:s10+$0xFFFFFFB0] =	vst v15  }
0x280: {  	v17 =	vor.u32 v36, v11;
	[tilespmem:s10+$0xFFFFFF20] =	vst v18  }
0x281: {  	v18 =	vld [tilespmem:$0x1FF10];
	v14 =	vor.u32 v14, v4  }
0x282: {  	v13 =	vor.u32 v58, v6;
	[tilespmem:s10+$0xFFFFFC20] =	vst v12;
	v19 =	vld.idx.msk [tilespmem:v19+s14+$0x0], $0xffff  }
0x283: {  	v12 =	vld [tilespmem:$0x1FEB0]  }
0x284: {  	v9 =	vor.u32 v51, v8;
	v10 =	vld.idx.msk [tilespmem:v10+s14+$0x0], $0xffff  }
0x285: {  	v16 =	vor.u32 v16, v5;
	v17 =	vld.idx.msk [tilespmem:v17+s14+$0x0], $0xffff  }
0x286: {  	v15 =	vor.u32 v33, v7;
	v14 =	vld.idx.msk [tilespmem:v14+s14+$0x0], $0xffff  }
0x287: {  	v13 =	vld.idx.msk [tilespmem:v13+s14+$0x0], $0xffff;
	[tilespmem:s10+$0xFFFFFCB0] =	vst v19  }
0x288: {  	v18 =	vor.u32 v18, v3;
	v19 =	vld [tilespmem:$0x1FEA0]  }
0x289: {  	v9 =	vld.idx.msk [tilespmem:v9+s14+$0x0], $0xffff;
	v12 =	vor.u32 v12, v2  }
0x28a: {  	v16 =	vld.idx.msk [tilespmem:v16+s14+$0x0], $0xffff;
	[tilespmem:s10+$0xFFFFFD30] =	vst v10  }
0x28b: {  	v15 =	vld.idx.msk [tilespmem:v15+s14+$0x0], $0xffff;
	[tilespmem:s10+$0xFFFFFDB0] =	vst v14  }
0x28c: {  	v14 =	vld [tilespmem:$0x1FE80];
	[tilespmem:s10+$0xFFFFFFC0] =	vst v17  }
0x28d: {  	v18 =	vld.idx.msk [tilespmem:v18+s14+$0x0], $0xffff;
	[tilespmem:s10+$0xFFFFFEB0] =	vst v13;
	v19 =	vor.u32 v19, v4  }
0x28e: {  	v10 =	vor.u32 v38, v11;
	v12 =	vld.idx.msk [tilespmem:v12+s14+$0x0], $0xffff;
	[tilespmem:s10+$0xFFFFFF30] =	vst v9  }
0x28f: {  	[tilespmem:s10+$0xFFFFFE30] =	vst v16  }
0x290: {  	v16 =	vor.u32 v37, v6;
	v9 =	vld [tilespmem:$0x1FEF0];
	[tilespmem:s10+$0xFFFFFC30] =	vst v15  }
0x291: {  	v17 =	vor.u32 v52, v8;
	v15 =	vld [tilespmem:$0x1FEC0]  }
0x292: {  	[tilespmem:s10+$0xFFFFFCC0] =	vst v18;
	v14 =	vor.u32 v14, v5;
	v19 =	vld.idx.msk [tilespmem:v19+s14+$0x0], $0xffff  }
0x293: {  	v10 =	vld.idx.msk [tilespmem:v10+s14+$0x0], $0xffff;
	[tilespmem:s10+$0xFFFFFD40] =	vst v12  }
0x294: {  	v13 =	vor.u32 v34, v7;
	v60 =	vld [tilespmem:$0x1FE70]  }
0x295: {  	v16 =	vld.idx.msk [tilespmem:v16+s14+$0x0], $0xffff;
	v9 =	vor.u32 v9, v3  }
0x296: {  	v17 =	vld.idx.msk [tilespmem:v17+s14+$0x0], $0xffff;
	v15 =	vor.u32 v15, v2  }
0x297: {  	v18 =	vor.u32 v48, v11;
	v14 =	vld.idx.msk [tilespmem:v14+s14+$0x0], $0xffff;
	[tilespmem:s10+$0xFFFFFDC0] =	vst v19  }
0x298: {  	v19 =	vld [tilespmem:$0x1FE90]  }
0x299: {  	v13 =	vld.idx.msk [tilespmem:v13+s14+$0x0], $0xffff;
	v12 =	vor.u32 v60, v4;
	[tilespmem:s10+$0xFFFFFFD0] =	vst v10  }
0x29a: {  	v9 =	vld.idx.msk [tilespmem:v9+s14+$0x0], $0xffff;
	v10 =	vor.u32 v57, v6;
	[tilespmem:s10+$0xFFFFFEC0] =	vst v16  }
0x29b: {  	v16 =	vor.u32 v35, v7;
	[tilespmem:s10+$0xFFFFFF40] =	vst v17;
	v15 =	vld.idx.msk [tilespmem:v15+s14+$0x0], $0xffff  }
0x29c: {  	v18 =	vld.idx.msk [tilespmem:v18+s14+$0x0], $0xffff;
	[tilespmem:s10+$0xFFFFFE40] =	vst v14  }
0x29d: {  	v28 =	vmov v31;
	v31 =	vld [tilespmem:$0x1FF20];
	v19 =	vor.u32 v19, v5  }
0x29e: {  	v12 =	vld.idx.msk [tilespmem:v12+s14+$0x0], $0xffff  }
0x29f: {  	[tilespmem:s10+$0xFFFFFC40] =	vst v13;
	v10 =	vld.idx.msk [tilespmem:v10+s14+$0x0], $0xffff  }
0x2a0: {  	v14 =	vor.u32 v41, v8;
	[tilespmem:s10+$0xFFFFFCD0] =	vst v9;
	v16 =	vld.idx.msk [tilespmem:v16+s14+$0x0], $0xffff  }
0x2a1: {  	v13 =	vor.u32 v61, v11;
	v54 =	vld [tilespmem:$0x1FED0]  }
0x2a2: {  	[tilespmem:s10+$0xFFFFFD50] =	vst v15;
	v17 =	vor.u32 v31, v3;
	v19 =	vld.idx.msk [tilespmem:v19+s14+$0x0], $0xffff  }
0x2a3: {  	v59 =	vld [tilespmem:$0x1FE60];
	[tilespmem:s10+$0xFFFFFFE0] =	vst v18  }
0x2a4: {  	v62 =	vld [tilespmem:$0x1FE50];
	[tilespmem:s10+$0xFFFFFDD0] =	vst v12;
	v12 =	vor.u32 v40, v6  }
0x2a5: {  	v14 =	vld.idx.msk [tilespmem:v14+s14+$0x0], $0xffff  }
0x2a6: {  	v13 =	vld.idx.msk [tilespmem:v13+s14+$0x0], $0xffff;
	[tilespmem:s10+$0xFFFFFED0] =	vst v10;
	v9 =	vor.u32 v54, v2  }
0x2a7: {  	v17 =	vld.idx.msk [tilespmem:v17+s14+$0x0], $0xffff;
	[tilespmem:s10+$0xFFFFFE50] =	vst v19  }
0x2a8: {  	v24 =	vld [tilespmem:$0x1FF60]  }
0x2a9: {  	v12 =	vld.idx.msk [tilespmem:v12+s14+$0x0], $0xffff;
	v19 =	vor.u32 v43, v8  }
0x2aa: {  	v15 =	vor.u32 v59, v4;
	v20 =	vld [tilespmem:$0x1FDD0];
	[tilespmem:s10+$0xFFFFFF50] =	vst v14  }
0x2ab: {  	v18 =	vor.u32 v62, v5;
	v9 =	vld.idx.msk [tilespmem:v9+s14+$0x0], $0xffff;
	[tilespmem:s10+$0xFFFFFC50] =	vst v16  }
0x2ac: {  	v25 =	vld [tilespmem:$0x1FF00];
	[tilespmem:s10+$0xFFFFFCE0] =	vst v17  }
0x2ad: {  	v22 =	vld [tilespmem:$0x1FFA0];
	v10 =	vor.u32 v24, v7  }
0x2ae: {  	v17 =	vld.idx.msk [tilespmem:v19+s14+$0x0], $0xffff  }
0x2af: {  	v20 =	vor.u32 v20, v11;
	v11 =	vld.idx.msk [tilespmem:v15+s14+$0x0], $0xffff  }
0x2b0: {  	[tilespmem:s10+$0xFFFFFFF0] =	vst v13;
	v15 =	vld.idx.msk [tilespmem:v18+s14+$0x0], $0xffff  }
0x2b1: {  	v23 =	vld [tilespmem:$0x1FF80]  }
0x2b2: {  	[tilespmem:s10+$0xFFFFFD60] =	vst v9;
	v10 =	vld.idx.msk [tilespmem:v10+s14+$0x0], $0xffff  }
0x2b3: {  	v46 =	vld [tilespmem:$0x1FF70];
	[tilespmem:s10+$0xFFFFFEE0] =	vst v12  }
0x2b4: {  	[tilespmem:s10+$0xFFFFFDE0] =	vst v11  }
0x2b5: {  	v14 =	vor.u32 v25, v3;
	v18 =	vld.idx.msk [tilespmem:v20+s14+$0x0], $0xffff;
	[tilespmem:s10+$0xFFFFFE60] =	vst v15  }
0x2b6: {  	v16 =	vor.u32 v22, v2;
	v20 =	vld [tilespmem:$0x1FFB0];
	[tilespmem:s10+$0xFFFFFF60] =	vst v17  }
0x2b7: {  	v13 =	vor.u32 v23, v4;
	[tilespmem:s10+$0xFFFFFC60] =	vst v10  }
0x2b8: {  	v11 =	vor.u32 v55, v6;
	v19 =	vld [tilespmem:$0x1FFD0]  }
0x2b9: {  	v9 =	vor.u32 v46, v5  }
0x2ba: {  	v15 =	vor.u32 v44, v8;
	v14 =	vld.idx.msk [tilespmem:v14+s14+$0x0], $0xffff  }
0x2bb: {  	v3 =	vor.u32 v26, v3;
	v16 =	vld.idx.msk [tilespmem:v16+s14+$0x0], $0xffff  }
0x2bc: {  	v13 =	vld.idx.msk [tilespmem:v13+s14+$0x0], $0xffff;
	v12 =	vor.u32 v20, v7  }
0x2bd: {  	v17 =	vld.idx.msk [tilespmem:v11+s14+$0x0], $0xffff;
	v2 =	vor.u32 v19, v2  }
0x2be: {  	v4 =	vor.u32 v27, v4;
	v9 =	vld.idx.msk [tilespmem:v9+s14+$0x0], $0xffff;
	[tilespmem:s10+$0x0] =	vst v18  }
0x2bf: {  	v6 =	vor.u32 v53, v6;
	v10 =	vld.idx.msk [tilespmem:v15+s14+$0x0], $0xffff;
	[tilespmem:s10+$0xFFFFFCF0] =	vst v14  }
0x2c0: {  	v5 =	vor.u32 v0, v5;
	v3 =	vld.idx.msk [tilespmem:v3+s14+$0x0], $0xffff;
	[tilespmem:s10+$0xFFFFFD70] =	vst v16  }
0x2c1: {  	v8 =	vor.u32 v42, v8;
	[tilespmem:s10+$0xFFFFFDF0] =	vst v13;
	v11 =	vld.idx.msk [tilespmem:v12+s14+$0x0], $0xffff  }
0x2c2: {  	v54 =	vor.u32 v28, v7;
	[tilespmem:s10+$0xFFFFFEF0] =	vst v17;
	v2 =	vld.idx.msk [tilespmem:v2+s14+$0x0], $0xffff  }
0x2c3: {  	[tilespmem:s10+$0xFFFFFE70] =	vst v9;
	v9 =	vld.idx.msk [tilespmem:v4+s14+$0x0], $0xffff  }
0x2c4: {  	[tilespmem:s10+$0xFFFFFF70] =	vst v10;
	v62 =	vld.idx.msk [tilespmem:v6+s14+$0x0], $0xffff  }
0x2c5: {  	v59 =	vld.idx.msk [tilespmem:v5+s14+$0x0], $0xffff;
	[tilespmem:s10+$0xFFFFFD00] =	vst v3  }
0x2c6: {  	v3 =	vld.idx.msk [tilespmem:v8+s14+$0x0], $0xffff;
	[tilespmem:s10+$0xFFFFFC70] =	vst v11  }
0x2c7: {  	[tilespmem:s10+$0xFFFFFD80] =	vst v2;
	v2 =	vld.idx.msk [tilespmem:v54+s14+$0x0], $0xffff  }
0x2c8: {  	[tilespmem:s10+$0xFFFFFE00] =	vst v9  }
0x2c9: {  	[tilespmem:s10+$0xFFFFFF00] =	vst v62  }
0x2ca: {  	[tilespmem:s10+$0xFFFFFE80] =	vst v59  }
0x2cb: {  	[tilespmem:s10+$0xFFFFFF80] =	vst v3  }
0x2cc: {  	[tilespmem:s10+$0xFFFFFC80] =	vst v2  }
0x2cd: {  	v2 =	vld [tilespmem:$0x1FFC0]  }
0x2ce: {  	v15 =	vld [tilespmem:$0x1FE40]  }
0x2cf: {  	s3 =	sshll.u32 s30, $0x7;
	v10 =	vld [tilespmem:$0x1FF10]  }
0x2d0: {  	s3 =	sand.u32 $0x3F80, s3;
	v54 =	vld [tilespmem:$0x1FE30]  }
0x2d1: {  	s3 =	sor.u32 s31, s3;
	v16 =	vld [tilespmem:$0x1FF40]  }
0x2d2: {  	s29 =	sadd.s32 $0x1, s29;
	s25 =	sadd.s32 s1, s3;
	v31 =	vld [tilespmem:$0x1FEB0]  }
0x2d3: {  	[hbm4b:s25+s2] =	stream.linear.scatter [tilespmem:s21], [sflag:$0x4], $0x400, $0x38;
	v14 =	vld [tilespmem:$0x1FEC0]  }
0x2d4: {  	p0 =	sne.s32 s29, $0x64;
	s26 =	sadd.s32 s3, s7;
	v20 =	vld [tilespmem:$0x1FE20]  }
0x2d5: {  	v29 =	vmov v34;
	v30 =	vmov v35;
	v24 =	vld [tilespmem:$0x1FF30];
	[hbm4b:s26+s2] =	stream.linear.scatter [tilespmem:s22], [sflag:$0x4], $0x400, $0x38  }
.Ltmp2:
0x2d6: {  	v35 =	vmovc v63;
	v63 =	vmovc v55;
	v28 =	vmov v33;
	v33 =	vmov v56;
	v9 =	vmov v21;
	v21 =	vld [tilespmem:$0x1FE10];
	(pc) =	sbr.rel @p0 .LBB2_2-.Ltmp2, $4  }
0x2d7: {  	s30 =	sadd.s32 s3, s8;
	v56 =	vmovc v58;
	v58 =	vmovc v37;
	v37 =	vmov v57;
	v57 =	vmov v40;
	v40 =	vmov v49;
	v46 =	vld [tilespmem:$0x1FEE0]  }
0x2d8: {  	v49 =	vmovc v50;
	v50 =	vmovc v51;
	v51 =	vmov v52;
	v52 =	vmov v41;
	v41 =	vmov v43;
	v22 =	vld [tilespmem:$0x1FE80];
	[hbm4b:s30+s2] =	stream.linear.scatter [tilespmem:s23], [sflag:$0x4], $0x400, $0x38  }
0x2d9: {  	s31 =	sadd.s32 s3, s9;
	v43 =	vmovc v47;
	v47 =	vmovc v61;
	v27 =	vmov v32;
	v32 =	vmov v0;
	v55 =	vmov v44;
	v18 =	vld [tilespmem:$0x1FE90]  }
0x2da: {  	v44 =	vmovc v39;
	v39 =	vmovc v45;
	v45 =	vmov v36;
	v36 =	vmov v38;
	v38 =	vmov v48;
	v48 =	vld [tilespmem:$0x1FF90];
	[hbm4b:s31+s2] =	stream.linear.scatter [tilespmem:s24], [sflag:$0x4], $0x400, $0x38  }
0x2db: {  	s0 =	simm.s32 $0x3  }
0x2dc: {  	_ =	swait.ge [sflag:s0], $0x1000  }
0x2dd: {  	[sflag:s0] =	ssyncset.done $0x0  }
0x2de: {  	s3 =	simm.s32 $0x4;
	[sflag:s0] =	ssyncadd.s32 $0xFFFFF000  }
0x2df: {  	_ =	swait.ge [sflag:s3], $0x1000  }
0x2e0: {  	s10 =	rddreg [dreg:$0x4]  }
0x2e1: {  	s31 =	rddreg [dreg:$0x3];
	s10 =	sadd.s32 $0x1, s10  }
0x2e2: {  	p0 =	sne.s32 s10, s31  }
.Ltmp3:
0x2e3: {  	_ = 	snop;
	(pc) =	sbr.rel @p0 .LBB2_1-.Ltmp3, $3  }
0x2e4: {  	_ =	sdelay $0x1  }
0x2e5: {  	[sflag:s3] =	ssyncset.done $0x0  }
0x2e6: {  	[sflag:s3] =	ssyncadd.s32 $0xFFFFF000  }
0x2e7: {  	_ =	sfence.sel $0x180000  }
0x2e8: {  	[bflag:$0x0] =	sbarrier.arrive $0xFFFF  }
0x2e9: {  	_ =	strace $0x90000047  }
0x2ea: {  	s0 =	stileid.u32;
	[bflag:$0x2] =	sbarrier.arrive $0xFFFF  }
0x2eb: {  	p0 =	sne.s32 s0, $0x0;
	s0 =	rddreg [dreg:$0x2]  }
0x2ec: {  	s0 =	sadd.s32 @!p0 $0x100000, s0  }
0x2ed: {  	[sflag:s0] =	ssyncadd.tile.s32 @!p0 $0x1;
	_ =	shalt  }
.Lfunc_end2:
_tile_overlayer_lowered:
.L_overlay_start_2:
0x2ee: {  	(tag) =	ssettag $0x2  }
0x2ef: {  	s0 =	rddreg [dreg:$0x0];
	s2 =	stileid.u32  }
0x2f0: {  	s1 =	rddreg [dreg:$0x1];
	p0 =	sne.s32 s2, $0x0  }
0x2f1: {  	s3 =	rddreg [dreg:$0x2];
	[bflag:$0x3] =	sbarrier.arrive $0xFFFF;
	s2 =	simm.s32 @!p0 $0x1C05  }
0x2f2: {  	[timem:s3], [sflag:s2] =	dma.local @!p0 [hbm:s0], s1  }
0x2f3: {  	s0 =	simm.s32 @!p0 $0x5  }
0x2f4: {  	_ =	swait.ge @!p0 [sflag:s0], s1  }
0x2f5: {  	s1 =	ssub.s32 @!p0 $0x0, s1;
	[sflag:s0] =	ssyncset.done @!p0 $0x0  }
0x2f6: {  	[sflag:s0] =	ssyncadd.s32 @!p0 s1  }
0x2f7: {  	[bflag:$0x3] =	sbarrier.arrive $0xFFFF  }
0x2f8: {  	_ =	shalt  }

</sc_bundles>
